<compile_context>
chip_gen: v7x
topology: tpu7x:2x2x1
jax: 0.10.2.dev20260603
libtpu: 0.0.44.dev20260713+nightly
codegen_flags: <defaults>
</compile_context>

<pallas_src>
import functools
import math

import jax
import jax.numpy as jnp
from jax import lax
from jax.experimental import pallas as pl
from jax.experimental.pallas import tpu as pltpu
from jax.experimental.pallas import tpu_sc as plsc

B, N, D, L = 8, 2048, 512, 64
_NH = N // 2


def _sc_positions_kernel(mask_hbm, p_hbm, m_ref, p_ref):
    s = lax.axis_index("s")
    b = s // 2
    base = (s % 2) * _NH
    pltpu.sync_copy(mask_hbm.at[b, pl.ds(base, _NH)], m_ref)
    run = jnp.int32(0)
    for i in range(_NH // 16):
        v = m_ref[pl.ds(i * 16, 16)]
        valid = 1 - v
        incl = plsc.cumsum(valid)
        pos = run + incl - 1
        p_ref[pl.ds(i * 16, 16)] = jnp.where(valid == 1, pos, -1)
        run = run + incl[15]
    pltpu.sync_copy(p_ref, p_hbm.at[b, pl.ds(base, _NH)])


def _sc_positions(mask_i32):
    mesh = plsc.VectorSubcoreMesh(core_axis_name="c", subcore_axis_name="s",
                                  num_cores=1)
    return pl.kernel(
        _sc_positions_kernel,
        out_type=jax.ShapeDtypeStruct((B, N), jnp.int32),
        mesh=mesh,
        scratch_types=[
            pltpu.VMEM((_NH,), jnp.int32),
            pltpu.VMEM((_NH,), jnp.int32),
        ],
        compiler_params=pltpu.CompilerParams(needs_layout_passes=False,
                                             skip_device_barrier=True),
    )(mask_i32)


def _tc_body(feats_ref, p_ref, z_ref, wq_ref, wk_ref, wv_ref,
             wo_ref, bo_ref, out_ref, qk_ref, wvo_ref, zwo_ref):
    b = pl.program_id(0)

    @pl.when(b == 0)
    def _():
        zz = z_ref[...]
        q = lax.dot_general(zz, wq_ref[...], (((1,), (1,)), ((), ())))
        qk_ref[...] = lax.dot_general(q, wk_ref[...], (((1,), (0,)), ((), ())))
        wvo_ref[...] = lax.dot_general(wo_ref[...], wv_ref[...],
                                       (((1,), (0,)), ((), ())))
        zwo_ref[...] = lax.dot_general(zz, wo_ref[...],
                                       (((1,), (1,)), ((), ()))) + bo_ref[...]

    x = feats_ref[0]
    mu = jnp.mean(x, axis=-1, keepdims=True)
    var = jnp.mean(x * x, axis=-1, keepdims=True) - mu * mu
    r = lax.rsqrt(var + 1e-5)
    muT = mu.reshape(1, N)
    rT = r.reshape(1, N)

    pv0 = p_ref[0]
    halves = [pv0[:, :_NH], pv0[:, _NH:]]
    counts = [jnp.max(h_, axis=-1, keepdims=True) + 1 for h_ in halves]
    pv = jnp.concatenate(
        [halves[0], jnp.where(halves[1] >= 0, halves[1] + counts[0], -1)],
        axis=1)
    nv = (counts[0] + counts[1])[0, 0]
    seg = jnp.maximum(nv // L, 1)

    qk = qk_ref[...]
    qksum = jnp.sum(qk, axis=-1, keepdims=True)
    qx = lax.dot_general(qk, x, (((1,), (1,)), ((), ())))
    logits = (qx - qksum * muT) * (rT * (1.0 / math.sqrt(D)))
    logits = jnp.clip(logits, -5.0, 5.0)

    lo = lax.broadcasted_iota(jnp.int32, (L, 1), 0) * seg
    hi = lo + seg
    memb = jnp.logical_and(pv >= lo, pv < hi)

    masked = jnp.where(memb, logits, -1e4)
    rmax = jnp.max(masked, axis=-1, keepdims=True)
    unnorm = jnp.where(memb, jnp.exp(masked - rmax), 0.0)
    denom = jnp.sum(unnorm, axis=-1, keepdims=True)
    attn = unnorm / jnp.maximum(denom, 1e-30)

    ar = attn * rT
    pooled = lax.dot_general(ar, x, (((1,), (0,)), ((), ())))
    amu = jnp.sum(ar * muT, axis=-1, keepdims=True)
    pooled = pooled - amu

    o = lax.dot_general(pooled, wvo_ref[...],
                        (((1,), (1,)), ((), ()))) + bo_ref[...]
    zz = z_ref[...]
    nonempty = lo < nv
    o = jnp.where(nonempty, o, zwo_ref[...])
    out_ref[0] = jnp.where(nv > 0, o, zz)


def _tc_attn(feats, p3, z, Wq, Wk, Wv, Wo, bo2):
    grid = (B,)
    return pl.pallas_call(
        _tc_body,
        grid=grid,
        in_specs=[
            pl.BlockSpec((1, N, D), lambda b: (b, 0, 0)),
            pl.BlockSpec((1, 1, N), lambda b: (b, 0, 0)),
            pl.BlockSpec((L, D), lambda b: (0, 0)),
            pl.BlockSpec((D, D), lambda b: (0, 0)),
            pl.BlockSpec((D, D), lambda b: (0, 0)),
            pl.BlockSpec((D, D), lambda b: (0, 0)),
            pl.BlockSpec((D, D), lambda b: (0, 0)),
            pl.BlockSpec((1, D), lambda b: (0, 0)),
        ],
        out_specs=pl.BlockSpec((1, L, D), lambda b: (b, 0, 0)),
        out_shape=jax.ShapeDtypeStruct((B, L, D), jnp.float32),
        scratch_shapes=[pltpu.VMEM((L, D), jnp.float32),
                        pltpu.VMEM((D, D), jnp.float32),
                        pltpu.VMEM((L, D), jnp.float32)],
        compiler_params=pltpu.CompilerParams(
            dimension_semantics=("arbitrary",),
        ),
    )(feats, p3, z, Wq, Wk, Wv, Wo, bo2)


@jax.jit
def kernel(feats, coords, mask, z, Wq, Wk, Wv, Wo, bo):
    del coords
    mask_i32 = mask.astype(jnp.int32)
    p = _sc_positions(mask_i32)
    p3 = p.reshape(B, 1, N)
    bo2 = bo.reshape(1, D)
    return _tc_attn(feats, p3, z, Wq, Wk, Wv, Wo, bo2)

# --- scband reference (transcript-rebuilt; emitter-appended) ---
"""Pipeline reference for scband-lstcwa-3032246911411 (READ-ONLY COPY).

The authoritative reference and input builder live on the scoring server;
editing this copy changes nothing except your own understanding.
"""

import jax, jax.numpy as jnp
import numpy as np
import math


def _layer_norm(x, eps=1e-5):
    mu = jnp.mean(x, axis=-1, keepdims=True)
    var = jnp.mean((x - mu) ** 2, axis=-1, keepdims=True)
    return (x - mu) / jnp.sqrt(var + eps)


def setup_inputs(seed: int = 0) -> dict:
    key = jax.random.key(seed)
    ks = jax.random.split(key, 9)
    B, N, D, L = 8, 2048, 512, 64
    feats = jax.random.normal(ks[0], (B, N, D), dtype=jnp.float32)
    coords = jax.random.uniform(ks[1], (B, N, 2), dtype=jnp.float32)
    mask = jax.random.randint(ks[2], (B, N), 0, 2).astype(bool)
    z = jax.random.normal(ks[3], (L, D), dtype=jnp.float32) * 0.02
    Wq = jax.random.normal(ks[4], (D, D), dtype=jnp.float32) * 0.02
    Wk = jax.random.normal(ks[5], (D, D), dtype=jnp.float32) * 0.02
    Wv = jax.random.normal(ks[6], (D, D), dtype=jnp.float32) * 0.02
    Wo = jax.random.normal(ks[7], (D, D), dtype=jnp.float32) * 0.02
    bo = jax.random.normal(ks[8], (D,), dtype=jnp.float32) * 0.02
    return {"feats": feats, "coords": coords, "mask": mask, "z": z,
            "Wq": Wq, "Wk": Wk, "Wv": Wv, "Wo": Wo, "bo": bo}


def reference(feats, coords, mask, z, Wq, Wk, Wv, Wo, bo):
    B, N, D = feats.shape
    L = z.shape[0]
    temperature = math.sqrt(D)
    q = z @ Wq.T
    l_ids = jnp.arange(L)

    def per_batch(feats_b, mask_b):
        valid = ~mask_b
        N_valid = jnp.sum(valid.astype(jnp.int32))
        seg_size = jnp.maximum(1, N_valid // L)
        p = jnp.cumsum(valid.astype(jnp.int32)) - 1
        seg = p // seg_size
        memb = valid[None, :] & (seg[None, :] == l_ids[:, None])
        valid_feats = _layer_norm(feats_b)
        k = valid_feats @ Wk.T
        v = valid_feats @ Wv.T
        attn_logits = (q @ k.T) / temperature
        attn_logits = jnp.clip(attn_logits, -5.0, 5.0)
        masked_logits = jnp.where(memb, attn_logits, -jnp.inf)
        row_max = jnp.max(masked_logits, axis=-1, keepdims=True)
        row_max = jnp.where(jnp.isfinite(row_max), row_max, 0.0)
        unnorm = jnp.where(memb, jnp.exp(masked_logits - row_max), 0.0)
        denom = jnp.sum(unnorm, axis=-1, keepdims=True)
        attn = unnorm / jnp.where(denom > 0, denom, 1.0)
        z_seg = attn @ v
        nonempty = jnp.any(memb, axis=-1, keepdims=True)
        Z = jnp.where(nonempty, z_seg, z)
        out = Z @ Wo.T + bo
        return jnp.where(N_valid > 0, out, z)

    return jax.vmap(per_batch)(feats, mask)

if __name__ == "__main__":
    import jax
    _d = setup_inputs()
    print(jax.jit(kernel)(*tuple(_d.values())))

</pallas_src>

<mosaic_0001>
#map = affine_map<(d0, d1) -> (0, 0)>
module attributes {stable_mosaic.version = 14 : i64} {
  func.func @_sc_positions_kernel(%arg0: i32, %arg1: i32, %arg2: memref<8x2048xi32, #tpu.memory_space<hbm>>, %arg3: memref<8x2048xi32, #tpu.memory_space<hbm>>, %arg4: memref<1024xi32, #tpu.memory_space<vmem>>, %arg5: memref<1024xi32, #tpu.memory_space<vmem>>) attributes {dimension_semantics = [#tpu.dimension_semantics<core_parallel>, #tpu.dimension_semantics<subcore_parallel>], iteration_bounds = array<i64: 1, 16>, scalar_prefetch = 0 : i64, scratch_operands = 2 : i64, tpu.core_type = #tpu.core_type<sc_vector_subcore>, window_params = [{transform_indices = #map}, {transform_indices = #map}]} {
    %jit3A = arith.constant 2 : i32
    %div3A = arith.divsi %arg1, %jit3A : i32
    %sign3A = arith.constant 0 : i32
    %sign3A_0 = arith.cmpi sgt, %arg1, %sign3A : i32
    %sign3A_1 = arith.extui %sign3A_0 : i1 to i32
    %sign3A_2 = arith.constant 0 : i32
    %sign3A_3 = arith.cmpi slt, %arg1, %sign3A_2 : i32
    %sign3A_4 = arith.extui %sign3A_3 : i1 to i32
    %sign3A_5 = arith.subi %sign3A_1, %sign3A_4 : i32
    %sign3A_6 = arith.constant 0 : i32
    %sign3A_7 = arith.cmpi sgt, %jit3A, %sign3A_6 : i32
    %sign3A_8 = arith.extui %sign3A_7 : i1 to i32
    %sign3A_9 = arith.constant 0 : i32
    %sign3A_10 = arith.cmpi slt, %jit3A, %sign3A_9 : i32
    %sign3A_11 = arith.extui %sign3A_10 : i1 to i32
    %sign3A_12 = arith.subi %sign3A_8, %sign3A_11 : i32
    %ne3A = arith.cmpi ne, %sign3A_5, %sign3A_12 : i32
    %rem3A = arith.remsi %arg1, %jit3A : i32
    %ne3A_13 = arith.constant 0 : i32
    %ne3A_14 = arith.cmpi ne, %rem3A, %ne3A_13 : i32
    %and3A = arith.andi %ne3A, %ne3A_14 : i1
    %sub3A = arith.constant 1 : i32
    %sub3A_15 = arith.subi %div3A, %sub3A : i32
    %select_n3A = arith.select %and3A, %sub3A_15, %div3A : i32
    %jit3A_16 = arith.constant 2 : i32
    %eq3A = arith.constant 0 : i32
    %eq3A_17 = arith.cmpi eq, %jit3A_16, %eq3A : i32
    %jit3A_18 = arith.constant 1 : i32
    %select_n3A_19 = arith.select %eq3A_17, %jit3A_18, %jit3A_16 : i32
    %rem3A_20 = arith.remsi %arg1, %select_n3A_19 : i32
    %ne3A_21 = arith.constant 0 : i32
    %ne3A_22 = arith.cmpi ne, %rem3A_20, %ne3A_21 : i32
    %lt3A = arith.constant 0 : i32
    %lt3A_23 = arith.cmpi slt, %rem3A_20, %lt3A : i32
    %lt3A_24 = arith.constant 0 : i32
    %lt3A_25 = arith.cmpi slt, %select_n3A_19, %lt3A_24 : i32
    %ne3A_26 = arith.xori %lt3A_23, %lt3A_25 : i1
    %and3A_27 = arith.andi %ne3A_26, %ne3A_22 : i1
    %add3A = arith.addi %rem3A_20, %select_n3A_19 : i32
    %select_n3A_28 = arith.select %and3A_27, %add3A, %rem3A_20 : i32
    %mul3A = arith.constant 1024 : i32
    %mul3A_29 = arith.muli %select_n3A_28, %mul3A : i32
    "tpu.region"() ({
      %run_scoped3A = tpu.sem_alloc : memref<!tpu.dma_semaphore, #tpu.memory_space<semaphore_mem>>
      %dma_start3A = tpu.memref_slice %arg2[%select_n3A, %mul3A_29] : memref<8x2048xi32, #tpu.memory_space<hbm>> -> memref<1x1024xi32, #tpu.memory_space<hbm>>
      %dma_start3A_1562 = tpu.memref_squeeze %dma_start3A : memref<1x1024xi32, #tpu.memory_space<hbm>> -> memref<1024xi32, #tpu.memory_space<hbm>>
      %dma_start3A_1563 = tpu.memref_slice %arg2[%select_n3A, %mul3A_29] : memref<8x2048xi32, #tpu.memory_space<hbm>> -> memref<1x1024xi32, #tpu.memory_space<hbm>>
      %dma_start3A_1564 = tpu.memref_squeeze %dma_start3A_1563 : memref<1x1024xi32, #tpu.memory_space<hbm>> -> memref<1024xi32, #tpu.memory_space<hbm>>
      tpu.enqueue_dma source(%dma_start3A_1564 : memref<1024xi32, #tpu.memory_space<hbm>>) target(%arg4 : memref<1024xi32, #tpu.memory_space<vmem>>) target_semaphore(%run_scoped3A : memref<!tpu.dma_semaphore, #tpu.memory_space<semaphore_mem>>)
      %dma_wait3A = tpu.memref_slice %arg2[%select_n3A, %mul3A_29] : memref<8x2048xi32, #tpu.memory_space<hbm>> -> memref<1x1024xi32, #tpu.memory_space<hbm>>
      %dma_wait3A_1565 = tpu.memref_squeeze %dma_wait3A : memref<1x1024xi32, #tpu.memory_space<hbm>> -> memref<1024xi32, #tpu.memory_space<hbm>>
      %dma_wait3A_1566 = tpu.memref_slice %arg2[%select_n3A, %mul3A_29] : memref<8x2048xi32, #tpu.memory_space<hbm>> -> memref<1x1024xi32, #tpu.memory_space<hbm>>
      %dma_wait3A_1567 = tpu.memref_squeeze %dma_wait3A_1566 : memref<1x1024xi32, #tpu.memory_space<hbm>> -> memref<1024xi32, #tpu.memory_space<hbm>>
      tpu.wait_dma2 semaphore(%run_scoped3A : memref<!tpu.dma_semaphore, #tpu.memory_space<semaphore_mem>>) src(%dma_wait3A_1567 : memref<1024xi32, #tpu.memory_space<hbm>>) dst(%arg4 : memref<1024xi32, #tpu.memory_space<vmem>>)
      tpu.yield
    }) : () -> ()
    %get3A = arith.constant 0 : index
    %get3A_30 = tpu.vector_load %arg4[%get3A] {strides = array<i32>} : memref<1024xi32, #tpu.memory_space<vmem>>, vector<16xi32>,
    %sub3A_31 = arith.constant 1 : i32
    %sub3A_32 = vector.broadcast %sub3A_31 : i32 to vector<16xi32>
    %sub3A_33 = arith.subi %sub3A_32, %get3A_30 : vector<16xi32>
    %broadcast_in_dim3A = arith.constant true
    %broadcast_in_dim3A_34 = vector.broadcast %broadcast_in_dim3A : i1 to vector<16xi1>
    %masked_cumsum3A = tpu.scan <sum>, %sub3A_33 masked %broadcast_in_dim3A_34 : vector<16xi32>, vector<16xi1> -> vector<16xi32>
    %add3A_35 = arith.constant 0 : i32
    %add3A_36 = vector.broadcast %add3A_35 : i32 to vector<16xi32>
    %add3A_37 = arith.addi %add3A_36, %masked_cumsum3A : vector<16xi32>
    %sub3A_38 = arith.constant 1 : i32
    %sub3A_39 = vector.broadcast %sub3A_38 : i32 to vector<16xi32>
    %sub3A_40 = arith.subi %add3A_37, %sub3A_39 : vector<16xi32>
    %eq3A_41 = arith.constant 1 : i32
    %eq3A_42 = vector.broadcast %eq3A_41 : i32 to vector<16xi32>
    %eq3A_43 = arith.cmpi eq, %sub3A_33, %eq3A_42 : vector<16xi32>
    %jit3A_44 = arith.constant -1 : i32
    %broadcast_in_dim3A_45 = vector.broadcast %jit3A_44 : i32 to vector<16xi32>
    %select_n3A_46 = arith.select %eq3A_43, %sub3A_40, %broadcast_in_dim3A_45 : vector<16xi1>, vector<16xi32>
    %swap3A = arith.constant 0 : index
    %swap3A_47 = tpu.vector_load %arg5[%swap3A] {strides = array<i32>} : memref<1024xi32, #tpu.memory_space<vmem>>, vector<16xi32>,
    tpu.vector_store %arg5[%swap3A], %select_n3A_46 {strides = array<i32>} : memref<1024xi32, #tpu.memory_space<vmem>>, vector<16xi32>,
    %slice3A = vector.extract_strided_slice %masked_cumsum3A {offsets = [15], sizes = [1], strides = [1]} : vector<16xi32> to vector<1xi32>
    %squeeze3A = vector.extract %slice3A[0] : i32 from vector<1xi32>
    %add3A_48 = arith.constant 0 : i32
    %add3A_49 = arith.addi %add3A_48, %squeeze3A : i32
    %get3A_50 = arith.constant 16 : index
    %get3A_51 = tpu.vector_load %arg4[%get3A_50] {strides = array<i32>} : memref<1024xi32, #tpu.memory_space<vmem>>, vector<16xi32>,
    %sub3A_52 = arith.constant 1 : i32
    %sub3A_53 = vector.broadcast %sub3A_52 : i32 to vector<16xi32>
    %sub3A_54 = arith.subi %sub3A_53, %get3A_51 : vector<16xi32>
    %broadcast_in_dim3A_55 = arith.constant true
    %broadcast_in_dim3A_56 = vector.broadcast %broadcast_in_dim3A_55 : i1 to vector<16xi1>
    %masked_cumsum3A_57 = tpu.scan <sum>, %sub3A_54 masked %broadcast_in_dim3A_56 : vector<16xi32>, vector<16xi1> -> vector<16xi32>
    %add3A_58 = vector.broadcast %add3A_49 : i32 to vector<16xi32>
    %add3A_59 = arith.addi %add3A_58, %masked_cumsum3A_57 : vector<16xi32>
    %sub3A_60 = arith.constant 1 : i32
    %sub3A_61 = vector.broadcast %sub3A_60 : i32 to vector<16xi32>
    %sub3A_62 = arith.subi %add3A_59, %sub3A_61 : vector<16xi32>
    %eq3A_63 = arith.constant 1 : i32
    %eq3A_64 = vector.broadcast %eq3A_63 : i32 to vector<16xi32>
    %eq3A_65 = arith.cmpi eq, %sub3A_54, %eq3A_64 : vector<16xi32>
    %jit3A_66 = arith.constant -1 : i32
    %broadcast_in_dim3A_67 = vector.broadcast %jit3A_66 : i32 to vector<16xi32>
    %select_n3A_68 = arith.select %eq3A_65, %sub3A_62, %broadcast_in_dim3A_67 : vector<16xi1>, vector<16xi32>
    %swap3A_69 = arith.constant 16 : index
    %swap3A_70 = tpu.vector_load %arg5[%swap3A_69] {strides = array<i32>} : memref<1024xi32, #tpu.memory_space<vmem>>, vector<16xi32>,
    tpu.vector_store %arg5[%swap3A_69], %select_n3A_68 {strides = array<i32>} : memref<1024xi32, #tpu.memory_space<vmem>>, vector<16xi32>,
    %slice3A_71 = vector.extract_strided_slice %masked_cumsum3A_57 {offsets = [15], sizes = [1], strides = [1]} : vector<16xi32> to vector<1xi32>
    %squeeze3A_72 = vector.extract %slice3A_71[0] : i32 from vector<1xi32>
    %add3A_73 = arith.addi %add3A_49, %squeeze3A_72 : i32
    %get3A_74 = arith.constant 32 : index
    %get3A_75 = tpu.vector_load %arg4[%get3A_74] {strides = array<i32>} : memref<1024xi32, #tpu.memory_space<vmem>>, vector<16xi32>,
    %sub3A_76 = arith.constant 1 : i32
    %sub3A_77 = vector.broadcast %sub3A_76 : i32 to vector<16xi32>
    %sub3A_78 = arith.subi %sub3A_77, %get3A_75 : vector<16xi32>
    %broadcast_in_dim3A_79 = arith.constant true
    %broadcast_in_dim3A_80 = vector.broadcast %broadcast_in_dim3A_79 : i1 to vector<16xi1>
    %masked_cumsum3A_81 = tpu.scan <sum>, %sub3A_78 masked %broadcast_in_dim3A_80 : vector<16xi32>, vector<16xi1> -> vector<16xi32>
    %add3A_82 = vector.broadcast %add3A_73 : i32 to vector<16xi32>
    %add3A_83 = arith.addi %add3A_82, %masked_cumsum3A_81 : vector<16xi32>
    %sub3A_84 = arith.constant 1 : i32
    %sub3A_85 = vector.broadcast %sub3A_84 : i32 to vector<16xi32>
    %sub3A_86 = arith.subi %add3A_83, %sub3A_85 : vector<16xi32>
    %eq3A_87 = arith.constant 1 : i32
    %eq3A_88 = vector.broadcast %eq3A_87 : i32 to vector<16xi32>
    %eq3A_89 = arith.cmpi eq, %sub3A_78, %eq3A_88 : vector<16xi32>
    %jit3A_90 = arith.constant -1 : i32
    %broadcast_in_dim3A_91 = vector.broadcast %jit3A_90 : i32 to vector<16xi32>
    %select_n3A_92 = arith.select %eq3A_89, %sub3A_86, %broadcast_in_dim3A_91 : vector<16xi1>, vector<16xi32>
    %swap3A_93 = arith.constant 32 : index
    %swap3A_94 = tpu.vector_load %arg5[%swap3A_93] {strides = array<i32>} : memref<1024xi32, #tpu.memory_space<vmem>>, vector<16xi32>,
    tpu.vector_store %arg5[%swap3A_93], %select_n3A_92 {strides = array<i32>} : memref<1024xi32, #tpu.memory_space<vmem>>, vector<16xi32>,
    %slice3A_95 = vector.extract_strided_slice %masked_cumsum3A_81 {offsets = [15], sizes = [1], strides = [1]} : vector<16xi32> to vector<1xi32>
    %squeeze3A_96 = vector.extract %slice3A_95[0] : i32 from vector<1xi32>
    %add3A_97 = arith.addi %add3A_73, %squeeze3A_96 : i32
    %get3A_98 = arith.constant 48 : index
    %get3A_99 = tpu.vector_load %arg4[%get3A_98] {strides = array<i32>} : memref<1024xi32, #tpu.memory_space<vmem>>, vector<16xi32>,
    %sub3A_100 = arith.constant 1 : i32
    %sub3A_101 = vector.broadcast %sub3A_100 : i32 to vector<16xi32>
    %sub3A_102 = arith.subi %sub3A_101, %get3A_99 : vector<16xi32>
    %broadcast_in_dim3A_103 = arith.constant true
    %broadcast_in_dim3A_104 = vector.broadcast %broadcast_in_dim3A_103 : i1 to vector<16xi1>
    %masked_cumsum3A_105 = tpu.scan <sum>, %sub3A_102 masked %broadcast_in_dim3A_104 : vector<16xi32>, vector<16xi1> -> vector<16xi32>
    %add3A_106 = vector.broadcast %add3A_97 : i32 to vector<16xi32>
    %add3A_107 = arith.addi %add3A_106, %masked_cumsum3A_105 : vector<16xi32>
    %sub3A_108 = arith.constant 1 : i32
    %sub3A_109 = vector.broadcast %sub3A_108 : i32 to vector<16xi32>
    %sub3A_110 = arith.subi %add3A_107, %sub3A_109 : vector<16xi32>
    %eq3A_111 = arith.constant 1 : i32
    %eq3A_112 = vector.broadcast %eq3A_111 : i32 to vector<16xi32>
    %eq3A_113 = arith.cmpi eq, %sub3A_102, %eq3A_112 : vector<16xi32>
    %jit3A_114 = arith.constant -1 : i32
    %broadcast_in_dim3A_115 = vector.broadcast %jit3A_114 : i32 to vector<16xi32>
    %select_n3A_116 = arith.select %eq3A_113, %sub3A_110, %broadcast_in_dim3A_115 : vector<16xi1>, vector<16xi32>
    %swap3A_117 = arith.constant 48 : index
    %swap3A_118 = tpu.vector_load %arg5[%swap3A_117] {strides = array<i32>} : memref<1024xi32, #tpu.memory_space<vmem>>, vector<16xi32>,
    tpu.vector_store %arg5[%swap3A_117], %select_n3A_116 {strides = array<i32>} : memref<1024xi32, #tpu.memory_space<vmem>>, vector<16xi32>,
    %slice3A_119 = vector.extract_strided_slice %masked_cumsum3A_105 {offsets = [15], sizes = [1], strides = [1]} : vector<16xi32> to vector<1xi32>
    %squeeze3A_120 = vector.extract %slice3A_119[0] : i32 from vector<1xi32>
    %add3A_121 = arith.addi %add3A_97, %squeeze3A_120 : i32
    %get3A_122 = arith.constant 64 : index
    %get3A_123 = tpu.vector_load %arg4[%get3A_122] {strides = array<i32>} : memref<1024xi32, #tpu.memory_space<vmem>>, vector<16xi32>,
    %sub3A_124 = arith.constant 1 : i32
    %sub3A_125 = vector.broadcast %sub3A_124 : i32 to vector<16xi32>
    %sub3A_126 = arith.subi %sub3A_125, %get3A_123 : vector<16xi32>
    %broadcast_in_dim3A_127 = arith.constant true
    %broadcast_in_dim3A_128 = vector.broadcast %broadcast_in_dim3A_127 : i1 to vector<16xi1>
    %masked_cumsum3A_129 = tpu.scan <sum>, %sub3A_126 masked %broadcast_in_dim3A_128 : vector<16xi32>, vector<16xi1> -> vector<16xi32>
    %add3A_130 = vector.broadcast %add3A_121 : i32 to vector<16xi32>
    %add3A_131 = arith.addi %add3A_130, %masked_cumsum3A_129 : vector<16xi32>
    %sub3A_132 = arith.constant 1 : i32
    %sub3A_133 = vector.broadcast %sub3A_132 : i32 to vector<16xi32>
    %sub3A_134 = arith.subi %add3A_131, %sub3A_133 : vector<16xi32>
    %eq3A_135 = arith.constant 1 : i32
    %eq3A_136 = vector.broadcast %eq3A_135 : i32 to vector<16xi32>
    %eq3A_137 = arith.cmpi eq, %sub3A_126, %eq3A_136 : vector<16xi32>
    %jit3A_138 = arith.constant -1 : i32
    %broadcast_in_dim3A_139 = vector.broadcast %jit3A_138 : i32 to vector<16xi32>
    %select_n3A_140 = arith.select %eq3A_137, %sub3A_134, %broadcast_in_dim3A_139 : vector<16xi1>, vector<16xi32>
    %swap3A_141 = arith.constant 64 : index
    %swap3A_142 = tpu.vector_load %arg5[%swap3A_141] {strides = array<i32>} : memref<1024xi32, #tpu.memory_space<vmem>>, vector<16xi32>,
    tpu.vector_store %arg5[%swap3A_141], %select_n3A_140 {strides = array<i32>} : memref<1024xi32, #tpu.memory_space<vmem>>, vector<16xi32>,
    %slice3A_143 = vector.extract_strided_slice %masked_cumsum3A_129 {offsets = [15], sizes = [1], strides = [1]} : vector<16xi32> to vector<1xi32>
    %squeeze3A_144 = vector.extract %slice3A_143[0] : i32 from vector<1xi32>
    %add3A_145 = arith.addi %add3A_121, %squeeze3A_144 : i32
    %get3A_146 = arith.constant 80 : index
    %get3A_147 = tpu.vector_load %arg4[%get3A_146] {strides = array<i32>} : memref<1024xi32, #tpu.memory_space<vmem>>, vector<16xi32>,
    %sub3A_148 = arith.constant 1 : i32
    %sub3A_149 = vector.broadcast %sub3A_148 : i32 to vector<16xi32>
    %sub3A_150 = arith.subi %sub3A_149, %get3A_147 : vector<16xi32>
    %broadcast_in_dim3A_151 = arith.constant true
    %broadcast_in_dim3A_152 = vector.broadcast %broadcast_in_dim3A_151 : i1 to vector<16xi1>
    %masked_cumsum3A_153 = tpu.scan <sum>, %sub3A_150 masked %broadcast_in_dim3A_152 : vector<16xi32>, vector<16xi1> -> vector<16xi32>
    %add3A_154 = vector.broadcast %add3A_145 : i32 to vector<16xi32>
    %add3A_155 = arith.addi %add3A_154, %masked_cumsum3A_153 : vector<16xi32>
    %sub3A_156 = arith.constant 1 : i32
    %sub3A_157 = vector.broadcast %sub3A_156 : i32 to vector<16xi32>
    %sub3A_158 = arith.subi %add3A_155, %sub3A_157 : vector<16xi32>
    %eq3A_159 = arith.constant 1 : i32
    %eq3A_160 = vector.broadcast %eq3A_159 : i32 to vector<16xi32>
    %eq3A_161 = arith.cmpi eq, %sub3A_150, %eq3A_160 : vector<16xi32>
    %jit3A_162 = arith.constant -1 : i32
    %broadcast_in_dim3A_163 = vector.broadcast %jit3A_162 : i32 to vector<16xi32>
    %select_n3A_164 = arith.select %eq3A_161, %sub3A_158, %broadcast_in_dim3A_163 : vector<16xi1>, vector<16xi32>
    %swap3A_165 = arith.constant 80 : index
    %swap3A_166 = tpu.vector_load %arg5[%swap3A_165] {strides = array<i32>} : memref<1024xi32, #tpu.memory_space<vmem>>, vector<16xi32>,
    tpu.vector_store %arg5[%swap3A_165], %select_n3A_164 {strides = array<i32>} : memref<1024xi32, #tpu.memory_space<vmem>>, vector<16xi32>,
    %slice3A_167 = vector.extract_strided_slice %masked_cumsum3A_153 {offsets = [15], sizes = [1], strides = [1]} : vector<16xi32> to vector<1xi32>
    %squeeze3A_168 = vector.extract %slice3A_167[0] : i32 from vector<1xi32>
    %add3A_169 = arith.addi %add3A_145, %squeeze3A_168 : i32
    %get3A_170 = arith.constant 96 : index
    %get3A_171 = tpu.vector_load %arg4[%get3A_170] {strides = array<i32>} : memref<1024xi32, #tpu.memory_space<vmem>>, vector<16xi32>,
    %sub3A_172 = arith.constant 1 : i32
    %sub3A_173 = vector.broadcast %sub3A_172 : i32 to vector<16xi32>
    %sub3A_174 = arith.subi %sub3A_173, %get3A_171 : vector<16xi32>
    %broadcast_in_dim3A_175 = arith.constant true
    %broadcast_in_dim3A_176 = vector.broadcast %broadcast_in_dim3A_175 : i1 to vector<16xi1>
    %masked_cumsum3A_177 = tpu.scan <sum>, %sub3A_174 masked %broadcast_in_dim3A_176 : vector<16xi32>, vector<16xi1> -> vector<16xi32>
    %add3A_178 = vector.broadcast %add3A_169 : i32 to vector<16xi32>
    %add3A_179 = arith.addi %add3A_178, %masked_cumsum3A_177 : vector<16xi32>
    %sub3A_180 = arith.constant 1 : i32
    %sub3A_181 = vector.broadcast %sub3A_180 : i32 to vector<16xi32>
    %sub3A_182 = arith.subi %add3A_179, %sub3A_181 : vector<16xi32>
    %eq3A_183 = arith.constant 1 : i32
    %eq3A_184 = vector.broadcast %eq3A_183 : i32 to vector<16xi32>
    %eq3A_185 = arith.cmpi eq, %sub3A_174, %eq3A_184 : vector<16xi32>
    %jit3A_186 = arith.constant -1 : i32
    %broadcast_in_dim3A_187 = vector.broadcast %jit3A_186 : i32 to vector<16xi32>
    %select_n3A_188 = arith.select %eq3A_185, %sub3A_182, %broadcast_in_dim3A_187 : vector<16xi1>, vector<16xi32>
    %swap3A_189 = arith.constant 96 : index
    %swap3A_190 = tpu.vector_load %arg5[%swap3A_189] {strides = array<i32>} : memref<1024xi32, #tpu.memory_space<vmem>>, vector<16xi32>,
    tpu.vector_store %arg5[%swap3A_189], %select_n3A_188 {strides = array<i32>} : memref<1024xi32, #tpu.memory_space<vmem>>, vector<16xi32>,
    %slice3A_191 = vector.extract_strided_slice %masked_cumsum3A_177 {offsets = [15], sizes = [1], strides = [1]} : vector<16xi32> to vector<1xi32>
    %squeeze3A_192 = vector.extract %slice3A_191[0] : i32 from vector<1xi32>
    %add3A_193 = arith.addi %add3A_169, %squeeze3A_192 : i32
    %get3A_194 = arith.constant 112 : index
    %get3A_195 = tpu.vector_load %arg4[%get3A_194] {strides = array<i32>} : memref<1024xi32, #tpu.memory_space<vmem>>, vector<16xi32>,
    %sub3A_196 = arith.constant 1 : i32
    %sub3A_197 = vector.broadcast %sub3A_196 : i32 to vector<16xi32>
    %sub3A_198 = arith.subi %sub3A_197, %get3A_195 : vector<16xi32>
    %broadcast_in_dim3A_199 = arith.constant true
    %broadcast_in_dim3A_200 = vector.broadcast %broadcast_in_dim3A_199 : i1 to vector<16xi1>
    %masked_cumsum3A_201 = tpu.scan <sum>, %sub3A_198 masked %broadcast_in_dim3A_200 : vector<16xi32>, vector<16xi1> -> vector<16xi32>
    %add3A_202 = vector.broadcast %add3A_193 : i32 to vector<16xi32>
    %add3A_203 = arith.addi %add3A_202, %masked_cumsum3A_201 : vector<16xi32>
    %sub3A_204 = arith.constant 1 : i32
    %sub3A_205 = vector.broadcast %sub3A_204 : i32 to vector<16xi32>
    %sub3A_206 = arith.subi %add3A_203, %sub3A_205 : vector<16xi32>
    %eq3A_207 = arith.constant 1 : i32
    %eq3A_208 = vector.broadcast %eq3A_207 : i32 to vector<16xi32>
    %eq3A_209 = arith.cmpi eq, %sub3A_198, %eq3A_208 : vector<16xi32>
    %jit3A_210 = arith.constant -1 : i32
    %broadcast_in_dim3A_211 = vector.broadcast %jit3A_210 : i32 to vector<16xi32>
    %select_n3A_212 = arith.select %eq3A_209, %sub3A_206, %broadcast_in_dim3A_211 : vector<16xi1>, vector<16xi32>
    %swap3A_213 = arith.constant 112 : index
    %swap3A_214 = tpu.vector_load %arg5[%swap3A_213] {strides = array<i32>} : memref<1024xi32, #tpu.memory_space<vmem>>, vector<16xi32>,
    tpu.vector_store %arg5[%swap3A_213], %select_n3A_212 {strides = array<i32>} : memref<1024xi32, #tpu.memory_space<vmem>>, vector<16xi32>,
    %slice3A_215 = vector.extract_strided_slice %masked_cumsum3A_201 {offsets = [15], sizes = [1], strides = [1]} : vector<16xi32> to vector<1xi32>
    %squeeze3A_216 = vector.extract %slice3A_215[0] : i32 from vector<1xi32>
    %add3A_217 = arith.addi %add3A_193, %squeeze3A_216 : i32
    %get3A_218 = arith.constant 128 : index
    %get3A_219 = tpu.vector_load %arg4[%get3A_218] {strides = array<i32>} : memref<1024xi32, #tpu.memory_space<vmem>>, vector<16xi32>,
    %sub3A_220 = arith.constant 1 : i32
    %sub3A_221 = vector.broadcast %sub3A_220 : i32 to vector<16xi32>
    %sub3A_222 = arith.subi %sub3A_221, %get3A_219 : vector<16xi32>
    %broadcast_in_dim3A_223 = arith.constant true
    %broadcast_in_dim3A_224 = vector.broadcast %broadcast_in_dim3A_223 : i1 to vector<16xi1>
    %masked_cumsum3A_225 = tpu.scan <sum>, %sub3A_222 masked %broadcast_in_dim3A_224 : vector<16xi32>, vector<16xi1> -> vector<16xi32>
    %add3A_226 = vector.broadcast %add3A_217 : i32 to vector<16xi32>
    %add3A_227 = arith.addi %add3A_226, %masked_cumsum3A_225 : vector<16xi32>
    %sub3A_228 = arith.constant 1 : i32
    %sub3A_229 = vector.broadcast %sub3A_228 : i32 to vector<16xi32>
    %sub3A_230 = arith.subi %add3A_227, %sub3A_229 : vector<16xi32>
    %eq3A_231 = arith.constant 1 : i32
    %eq3A_232 = vector.broadcast %eq3A_231 : i32 to vector<16xi32>
    %eq3A_233 = arith.cmpi eq, %sub3A_222, %eq3A_232 : vector<16xi32>
    %jit3A_234 = arith.constant -1 : i32
    %broadcast_in_dim3A_235 = vector.broadcast %jit3A_234 : i32 to vector<16xi32>
    %select_n3A_236 = arith.select %eq3A_233, %sub3A_230, %broadcast_in_dim3A_235 : vector<16xi1>, vector<16xi32>
    %swap3A_237 = arith.constant 128 : index
    %swap3A_238 = tpu.vector_load %arg5[%swap3A_237] {strides = array<i32>} : memref<1024xi32, #tpu.memory_space<vmem>>, vector<16xi32>,
    tpu.vector_store %arg5[%swap3A_237], %select_n3A_236 {strides = array<i32>} : memref<1024xi32, #tpu.memory_space<vmem>>, vector<16xi32>,
    %slice3A_239 = vector.extract_strided_slice %masked_cumsum3A_225 {offsets = [15], sizes = [1], strides = [1]} : vector<16xi32> to vector<1xi32>
    %squeeze3A_240 = vector.extract %slice3A_239[0] : i32 from vector<1xi32>
    %add3A_241 = arith.addi %add3A_217, %squeeze3A_240 : i32
    %get3A_242 = arith.constant 144 : index
    %get3A_243 = tpu.vector_load %arg4[%get3A_242] {strides = array<i32>} : memref<1024xi32, #tpu.memory_space<vmem>>, vector<16xi32>,
    %sub3A_244 = arith.constant 1 : i32
    %sub3A_245 = vector.broadcast %sub3A_244 : i32 to vector<16xi32>
    %sub3A_246 = arith.subi %sub3A_245, %get3A_243 : vector<16xi32>
    %broadcast_in_dim3A_247 = arith.constant true
    %broadcast_in_dim3A_248 = vector.broadcast %broadcast_in_dim3A_247 : i1 to vector<16xi1>
    %masked_cumsum3A_249 = tpu.scan <sum>, %sub3A_246 masked %broadcast_in_dim3A_248 : vector<16xi32>, vector<16xi1> -> vector<16xi32>
    %add3A_250 = vector.broadcast %add3A_241 : i32 to vector<16xi32>
    %add3A_251 = arith.addi %add3A_250, %masked_cumsum3A_249 : vector<16xi32>
    %sub3A_252 = arith.constant 1 : i32
    %sub3A_253 = vector.broadcast %sub3A_252 : i32 to vector<16xi32>
    %sub3A_254 = arith.subi %add3A_251, %sub3A_253 : vector<16xi32>
    %eq3A_255 = arith.constant 1 : i32
    %eq3A_256 = vector.broadcast %eq3A_255 : i32 to vector<16xi32>
    %eq3A_257 = arith.cmpi eq, %sub3A_246, %eq3A_256 : vector<16xi32>
    %jit3A_258 = arith.constant -1 : i32
    %broadcast_in_dim3A_259 = vector.broadcast %jit3A_258 : i32 to vector<16xi32>
    %select_n3A_260 = arith.select %eq3A_257, %sub3A_254, %broadcast_in_dim3A_259 : vector<16xi1>, vector<16xi32>
    %swap3A_261 = arith.constant 144 : index
    %swap3A_262 = tpu.vector_load %arg5[%swap3A_261] {strides = array<i32>} : memref<1024xi32, #tpu.memory_space<vmem>>, vector<16xi32>,
    tpu.vector_store %arg5[%swap3A_261], %select_n3A_260 {strides = array<i32>} : memref<1024xi32, #tpu.memory_space<vmem>>, vector<16xi32>,
    %slice3A_263 = vector.extract_strided_slice %masked_cumsum3A_249 {offsets = [15], sizes = [1], strides = [1]} : vector<16xi32> to vector<1xi32>
    %squeeze3A_264 = vector.extract %slice3A_263[0] : i32 from vector<1xi32>
    %add3A_265 = arith.addi %add3A_241, %squeeze3A_264 : i32
    %get3A_266 = arith.constant 160 : index
    %get3A_267 = tpu.vector_load %arg4[%get3A_266] {strides = array<i32>} : memref<1024xi32, #tpu.memory_space<vmem>>, vector<16xi32>,
    %sub3A_268 = arith.constant 1 : i32
    %sub3A_269 = vector.broadcast %sub3A_268 : i32 to vector<16xi32>
    %sub3A_270 = arith.subi %sub3A_269, %get3A_267 : vector<16xi32>
    %broadcast_in_dim3A_271 = arith.constant true
    %broadcast_in_dim3A_272 = vector.broadcast %broadcast_in_dim3A_271 : i1 to vector<16xi1>
    %masked_cumsum3A_273 = tpu.scan <sum>, %sub3A_270 masked %broadcast_in_dim3A_272 : vector<16xi32>, vector<16xi1> -> vector<16xi32>
    %add3A_274 = vector.broadcast %add3A_265 : i32 to vector<16xi32>
    %add3A_275 = arith.addi %add3A_274, %masked_cumsum3A_273 : vector<16xi32>
    %sub3A_276 = arith.constant 1 : i32
    %sub3A_277 = vector.broadcast %sub3A_276 : i32 to vector<16xi32>
    %sub3A_278 = arith.subi %add3A_275, %sub3A_277 : vector<16xi32>
    %eq3A_279 = arith.constant 1 : i32
    %eq3A_280 = vector.broadcast %eq3A_279 : i32 to vector<16xi32>
    %eq3A_281 = arith.cmpi eq, %sub3A_270, %eq3A_280 : vector<16xi32>
    %jit3A_282 = arith.constant -1 : i32
    %broadcast_in_dim3A_283 = vector.broadcast %jit3A_282 : i32 to vector<16xi32>
    %select_n3A_284 = arith.select %eq3A_281, %sub3A_278, %broadcast_in_dim3A_283 : vector<16xi1>, vector<16xi32>
    %swap3A_285 = arith.constant 160 : index
    %swap3A_286 = tpu.vector_load %arg5[%swap3A_285] {strides = array<i32>} : memref<1024xi32, #tpu.memory_space<vmem>>, vector<16xi32>,
    tpu.vector_store %arg5[%swap3A_285], %select_n3A_284 {strides = array<i32>} : memref<1024xi32, #tpu.memory_space<vmem>>, vector<16xi32>,
    %slice3A_287 = vector.extract_strided_slice %masked_cumsum3A_273 {offsets = [15], sizes = [1], strides = [1]} : vector<16xi32> to vector<1xi32>
    %squeeze3A_288 = vector.extract %slice3A_287[0] : i32 from vector<1xi32>
    %add3A_289 = arith.addi %add3A_265, %squeeze3A_288 : i32
    %get3A_290 = arith.constant 176 : index
    %get3A_291 = tpu.vector_load %arg4[%get3A_290] {strides = array<i32>} : memref<1024xi32, #tpu.memory_space<vmem>>, vector<16xi32>,
    %sub3A_292 = arith.constant 1 : i32
    %sub3A_293 = vector.broadcast %sub3A_292 : i32 to vector<16xi32>
    %sub3A_294 = arith.subi %sub3A_293, %get3A_291 : vector<16xi32>
    %broadcast_in_dim3A_295 = arith.constant true
    %broadcast_in_dim3A_296 = vector.broadcast %broadcast_in_dim3A_295 : i1 to vector<16xi1>
    %masked_cumsum3A_297 = tpu.scan <sum>, %sub3A_294 masked %broadcast_in_dim3A_296 : vector<16xi32>, vector<16xi1> -> vector<16xi32>
    %add3A_298 = vector.broadcast %add3A_289 : i32 to vector<16xi32>
    %add3A_299 = arith.addi %add3A_298, %masked_cumsum3A_297 : vector<16xi32>
    %sub3A_300 = arith.constant 1 : i32
    %sub3A_301 = vector.broadcast %sub3A_300 : i32 to vector<16xi32>
    %sub3A_302 = arith.subi %add3A_299, %sub3A_301 : vector<16xi32>
    %eq3A_303 = arith.constant 1 : i32
    %eq3A_304 = vector.broadcast %eq3A_303 : i32 to vector<16xi32>
    %eq3A_305 = arith.cmpi eq, %sub3A_294, %eq3A_304 : vector<16xi32>
    %jit3A_306 = arith.constant -1 : i32
    %broadcast_in_dim3A_307 = vector.broadcast %jit3A_306 : i32 to vector<16xi32>
    %select_n3A_308 = arith.select %eq3A_305, %sub3A_302, %broadcast_in_dim3A_307 : vector<16xi1>, vector<16xi32>
    %swap3A_309 = arith.constant 176 : index
    %swap3A_310 = tpu.vector_load %arg5[%swap3A_309] {strides = array<i32>} : memref<1024xi32, #tpu.memory_space<vmem>>, vector<16xi32>,
    tpu.vector_store %arg5[%swap3A_309], %select_n3A_308 {strides = array<i32>} : memref<1024xi32, #tpu.memory_space<vmem>>, vector<16xi32>,
    %slice3A_311 = vector.extract_strided_slice %masked_cumsum3A_297 {offsets = [15], sizes = [1], strides = [1]} : vector<16xi32> to vector<1xi32>
    %squeeze3A_312 = vector.extract %slice3A_311[0] : i32 from vector<1xi32>
    %add3A_313 = arith.addi %add3A_289, %squeeze3A_312 : i32
    %get3A_314 = arith.constant 192 : index
    %get3A_315 = tpu.vector_load %arg4[%get3A_314] {strides = array<i32>} : memref<1024xi32, #tpu.memory_space<vmem>>, vector<16xi32>,
    %sub3A_316 = arith.constant 1 : i32
    %sub3A_317 = vector.broadcast %sub3A_316 : i32 to vector<16xi32>
    %sub3A_318 = arith.subi %sub3A_317, %get3A_315 : vector<16xi32>
    %broadcast_in_dim3A_319 = arith.constant true
    %broadcast_in_dim3A_320 = vector.broadcast %broadcast_in_dim3A_319 : i1 to vector<16xi1>
    %masked_cumsum3A_321 = tpu.scan <sum>, %sub3A_318 masked %broadcast_in_dim3A_320 : vector<16xi32>, vector<16xi1> -> vector<16xi32>
    %add3A_322 = vector.broadcast %add3A_313 : i32 to vector<16xi32>
    %add3A_323 = arith.addi %add3A_322, %masked_cumsum3A_321 : vector<16xi32>
    %sub3A_324 = arith.constant 1 : i32
    %sub3A_325 = vector.broadcast %sub3A_324 : i32 to vector<16xi32>
    %sub3A_326 = arith.subi %add3A_323, %sub3A_325 : vector<16xi32>
    %eq3A_327 = arith.constant 1 : i32
    %eq3A_328 = vector.broadcast %eq3A_327 : i32 to vector<16xi32>
    %eq3A_329 = arith.cmpi eq, %sub3A_318, %eq3A_328 : vector<16xi32>
    %jit3A_330 = arith.constant -1 : i32
    %broadcast_in_dim3A_331 = vector.broadcast %jit3A_330 : i32 to vector<16xi32>
    %select_n3A_332 = arith.select %eq3A_329, %sub3A_326, %broadcast_in_dim3A_331 : vector<16xi1>, vector<16xi32>
    %swap3A_333 = arith.constant 192 : index
    %swap3A_334 = tpu.vector_load %arg5[%swap3A_333] {strides = array<i32>} : memref<1024xi32, #tpu.memory_space<vmem>>, vector<16xi32>,
    tpu.vector_store %arg5[%swap3A_333], %select_n3A_332 {strides = array<i32>} : memref<1024xi32, #tpu.memory_space<vmem>>, vector<16xi32>,
    %slice3A_335 = vector.extract_strided_slice %masked_cumsum3A_321 {offsets = [15], sizes = [1], strides = [1]} : vector<16xi32> to vector<1xi32>
    %squeeze3A_336 = vector.extract %slice3A_335[0] : i32 from vector<1xi32>
    %add3A_337 = arith.addi %add3A_313, %squeeze3A_336 : i32
    %get3A_338 = arith.constant 208 : index
    %get3A_339 = tpu.vector_load %arg4[%get3A_338] {strides = array<i32>} : memref<1024xi32, #tpu.memory_space<vmem>>, vector<16xi32>,
    %sub3A_340 = arith.constant 1 : i32
    %sub3A_341 = vector.broadcast %sub3A_340 : i32 to vector<16xi32>
    %sub3A_342 = arith.subi %sub3A_341, %get3A_339 : vector<16xi32>
    %broadcast_in_dim3A_343 = arith.constant true
    %broadcast_in_dim3A_344 = vector.broadcast %broadcast_in_dim3A_343 : i1 to vector<16xi1>
    %masked_cumsum3A_345 = tpu.scan <sum>, %sub3A_342 masked %broadcast_in_dim3A_344 : vector<16xi32>, vector<16xi1> -> vector<16xi32>
    %add3A_346 = vector.broadcast %add3A_337 : i32 to vector<16xi32>
    %add3A_347 = arith.addi %add3A_346, %masked_cumsum3A_345 : vector<16xi32>
    %sub3A_348 = arith.constant 1 : i32
    %sub3A_349 = vector.broadcast %sub3A_348 : i32 to vector<16xi32>
    %sub3A_350 = arith.subi %add3A_347, %sub3A_349 : vector<16xi32>
    %eq3A_351 = arith.constant 1 : i32
    %eq3A_352 = vector.broadcast %eq3A_351 : i32 to vector<16xi32>
    %eq3A_353 = arith.cmpi eq, %sub3A_342, %eq3A_352 : vector<16xi32>
    %jit3A_354 = arith.constant -1 : i32
    %broadcast_in_dim3A_355 = vector.broadcast %jit3A_354 : i32 to vector<16xi32>
    %select_n3A_356 = arith.select %eq3A_353, %sub3A_350, %broadcast_in_dim3A_355 : vector<16xi1>, vector<16xi32>
    %swap3A_357 = arith.constant 208 : index
    %swap3A_358 = tpu.vector_load %arg5[%swap3A_357] {strides = array<i32>} : memref<1024xi32, #tpu.memory_space<vmem>>, vector<16xi32>,
    tpu.vector_store %arg5[%swap3A_357], %select_n3A_356 {strides = array<i32>} : memref<1024xi32, #tpu.memory_space<vmem>>, vector<16xi32>,
    %slice3A_359 = vector.extract_strided_slice %masked_cumsum3A_345 {offsets = [15], sizes = [1], strides = [1]} : vector<16xi32> to vector<1xi32>
    %squeeze3A_360 = vector.extract %slice3A_359[0] : i32 from vector<1xi32>
    %add3A_361 = arith.addi %add3A_337, %squeeze3A_360 : i32
    %get3A_362 = arith.constant 224 : index
    %get3A_363 = tpu.vector_load %arg4[%get3A_362] {strides = array<i32>} : memref<1024xi32, #tpu.memory_space<vmem>>, vector<16xi32>,
    %sub3A_364 = arith.constant 1 : i32
    %sub3A_365 = vector.broadcast %sub3A_364 : i32 to vector<16xi32>
    %sub3A_366 = arith.subi %sub3A_365, %get3A_363 : vector<16xi32>
    %broadcast_in_dim3A_367 = arith.constant true
    %broadcast_in_dim3A_368 = vector.broadcast %broadcast_in_dim3A_367 : i1 to vector<16xi1>
    %masked_cumsum3A_369 = tpu.scan <sum>, %sub3A_366 masked %broadcast_in_dim3A_368 : vector<16xi32>, vector<16xi1> -> vector<16xi32>
    %add3A_370 = vector.broadcast %add3A_361 : i32 to vector<16xi32>
    %add3A_371 = arith.addi %add3A_370, %masked_cumsum3A_369 : vector<16xi32>
    %sub3A_372 = arith.constant 1 : i32
    %sub3A_373 = vector.broadcast %sub3A_372 : i32 to vector<16xi32>
    %sub3A_374 = arith.subi %add3A_371, %sub3A_373 : vector<16xi32>
    %eq3A_375 = arith.constant 1 : i32
    %eq3A_376 = vector.broadcast %eq3A_375 : i32 to vector<16xi32>
    %eq3A_377 = arith.cmpi eq, %sub3A_366, %eq3A_376 : vector<16xi32>
    %jit3A_378 = arith.constant -1 : i32
    %broadcast_in_dim3A_379 = vector.broadcast %jit3A_378 : i32 to vector<16xi32>
    %select_n3A_380 = arith.select %eq3A_377, %sub3A_374, %broadcast_in_dim3A_379 : vector<16xi1>, vector<16xi32>
    %swap3A_381 = arith.constant 224 : index
    %swap3A_382 = tpu.vector_load %arg5[%swap3A_381] {strides = array<i32>} : memref<1024xi32, #tpu.memory_space<vmem>>, vector<16xi32>,
    tpu.vector_store %arg5[%swap3A_381], %select_n3A_380 {strides = array<i32>} : memref<1024xi32, #tpu.memory_space<vmem>>, vector<16xi32>,
    %slice3A_383 = vector.extract_strided_slice %masked_cumsum3A_369 {offsets = [15], sizes = [1], strides = [1]} : vector<16xi32> to vector<1xi32>
    %squeeze3A_384 = vector.extract %slice3A_383[0] : i32 from vector<1xi32>
    %add3A_385 = arith.addi %add3A_361, %squeeze3A_384 : i32
    %get3A_386 = arith.constant 240 : index
    %get3A_387 = tpu.vector_load %arg4[%get3A_386] {strides = array<i32>} : memref<1024xi32, #tpu.memory_space<vmem>>, vector<16xi32>,
    %sub3A_388 = arith.constant 1 : i32
    %sub3A_389 = vector.broadcast %sub3A_388 : i32 to vector<16xi32>
    %sub3A_390 = arith.subi %sub3A_389, %get3A_387 : vector<16xi32>
    %broadcast_in_dim3A_391 = arith.constant true
    %broadcast_in_dim3A_392 = vector.broadcast %broadcast_in_dim3A_391 : i1 to vector<16xi1>
    %masked_cumsum3A_393 = tpu.scan <sum>, %sub3A_390 masked %broadcast_in_dim3A_392 : vector<16xi32>, vector<16xi1> -> vector<16xi32>
    %add3A_394 = vector.broadcast %add3A_385 : i32 to vector<16xi32>
    %add3A_395 = arith.addi %add3A_394, %masked_cumsum3A_393 : vector<16xi32>
    %sub3A_396 = arith.constant 1 : i32
    %sub3A_397 = vector.broadcast %sub3A_396 : i32 to vector<16xi32>
    %sub3A_398 = arith.subi %add3A_395, %sub3A_397 : vector<16xi32>
    %eq3A_399 = arith.constant 1 : i32
    %eq3A_400 = vector.broadcast %eq3A_399 : i32 to vector<16xi32>
    %eq3A_401 = arith.cmpi eq, %sub3A_390, %eq3A_400 : vector<16xi32>
    %jit3A_402 = arith.constant -1 : i32
    %broadcast_in_dim3A_403 = vector.broadcast %jit3A_402 : i32 to vector<16xi32>
    %select_n3A_404 = arith.select %eq3A_401, %sub3A_398, %broadcast_in_dim3A_403 : vector<16xi1>, vector<16xi32>
    %swap3A_405 = arith.constant 240 : index
    %swap3A_406 = tpu.vector_load %arg5[%swap3A_405] {strides = array<i32>} : memref<1024xi32, #tpu.memory_space<vmem>>, vector<16xi32>,
    tpu.vector_store %arg5[%swap3A_405], %select_n3A_404 {strides = array<i32>} : memref<1024xi32, #tpu.memory_space<vmem>>, vector<16xi32>,
    %slice3A_407 = vector.extract_strided_slice %masked_cumsum3A_393 {offsets = [15], sizes = [1], strides = [1]} : vector<16xi32> to vector<1xi32>
    %squeeze3A_408 = vector.extract %slice3A_407[0] : i32 from vector<1xi32>
    %add3A_409 = arith.addi %add3A_385, %squeeze3A_408 : i32
    %get3A_410 = arith.constant 256 : index
    %get3A_411 = tpu.vector_load %arg4[%get3A_410] {strides = array<i32>} : memref<1024xi32, #tpu.memory_space<vmem>>, vector<16xi32>,
    %sub3A_412 = arith.constant 1 : i32
    %sub3A_413 = vector.broadcast %sub3A_412 : i32 to vector<16xi32>
    %sub3A_414 = arith.subi %sub3A_413, %get3A_411 : vector<16xi32>
    %broadcast_in_dim3A_415 = arith.constant true
    %broadcast_in_dim3A_416 = vector.broadcast %broadcast_in_dim3A_415 : i1 to vector<16xi1>
    %masked_cumsum3A_417 = tpu.scan <sum>, %sub3A_414 masked %broadcast_in_dim3A_416 : vector<16xi32>, vector<16xi1> -> vector<16xi32>
    %add3A_418 = vector.broadcast %add3A_409 : i32 to vector<16xi32>
    %add3A_419 = arith.addi %add3A_418, %masked_cumsum3A_417 : vector<16xi32>
    %sub3A_420 = arith.constant 1 : i32
    %sub3A_421 = vector.broadcast %sub3A_420 : i32 to vector<16xi32>
    %sub3A_422 = arith.subi %add3A_419, %sub3A_421 : vector<16xi32>
    %eq3A_423 = arith.constant 1 : i32
    %eq3A_424 = vector.broadcast %eq3A_423 : i32 to vector<16xi32>
    %eq3A_425 = arith.cmpi eq, %sub3A_414, %eq3A_424 : vector<16xi32>
    %jit3A_426 = arith.constant -1 : i32
    %broadcast_in_dim3A_427 = vector.broadcast %jit3A_426 : i32 to vector<16xi32>
    %select_n3A_428 = arith.select %eq3A_425, %sub3A_422, %broadcast_in_dim3A_427 : vector<16xi1>, vector<16xi32>
    %swap3A_429 = arith.constant 256 : index
    %swap3A_430 = tpu.vector_load %arg5[%swap3A_429] {strides = array<i32>} : memref<1024xi32, #tpu.memory_space<vmem>>, vector<16xi32>,
    tpu.vector_store %arg5[%swap3A_429], %select_n3A_428 {strides = array<i32>} : memref<1024xi32, #tpu.memory_space<vmem>>, vector<16xi32>,
    %slice3A_431 = vector.extract_strided_slice %masked_cumsum3A_417 {offsets = [15], sizes = [1], strides = [1]} : vector<16xi32> to vector<1xi32>
    %squeeze3A_432 = vector.extract %slice3A_431[0] : i32 from vector<1xi32>
    %add3A_433 = arith.addi %add3A_409, %squeeze3A_432 : i32
    %get3A_434 = arith.constant 272 : index
    %get3A_435 = tpu.vector_load %arg4[%get3A_434] {strides = array<i32>} : memref<1024xi32, #tpu.memory_space<vmem>>, vector<16xi32>,
    %sub3A_436 = arith.constant 1 : i32
    %sub3A_437 = vector.broadcast %sub3A_436 : i32 to vector<16xi32>
    %sub3A_438 = arith.subi %sub3A_437, %get3A_435 : vector<16xi32>
    %broadcast_in_dim3A_439 = arith.constant true
    %broadcast_in_dim3A_440 = vector.broadcast %broadcast_in_dim3A_439 : i1 to vector<16xi1>
    %masked_cumsum3A_441 = tpu.scan <sum>, %sub3A_438 masked %broadcast_in_dim3A_440 : vector<16xi32>, vector<16xi1> -> vector<16xi32>
    %add3A_442 = vector.broadcast %add3A_433 : i32 to vector<16xi32>
    %add3A_443 = arith.addi %add3A_442, %masked_cumsum3A_441 : vector<16xi32>
    %sub3A_444 = arith.constant 1 : i32
    %sub3A_445 = vector.broadcast %sub3A_444 : i32 to vector<16xi32>
    %sub3A_446 = arith.subi %add3A_443, %sub3A_445 : vector<16xi32>
    %eq3A_447 = arith.constant 1 : i32
    %eq3A_448 = vector.broadcast %eq3A_447 : i32 to vector<16xi32>
    %eq3A_449 = arith.cmpi eq, %sub3A_438, %eq3A_448 : vector<16xi32>
    %jit3A_450 = arith.constant -1 : i32
    %broadcast_in_dim3A_451 = vector.broadcast %jit3A_450 : i32 to vector<16xi32>
    %select_n3A_452 = arith.select %eq3A_449, %sub3A_446, %broadcast_in_dim3A_451 : vector<16xi1>, vector<16xi32>
    %swap3A_453 = arith.constant 272 : index
    %swap3A_454 = tpu.vector_load %arg5[%swap3A_453] {strides = array<i32>} : memref<1024xi32, #tpu.memory_space<vmem>>, vector<16xi32>,
    tpu.vector_store %arg5[%swap3A_453], %select_n3A_452 {strides = array<i32>} : memref<1024xi32, #tpu.memory_space<vmem>>, vector<16xi32>,
    %slice3A_455 = vector.extract_strided_slice %masked_cumsum3A_441 {offsets = [15], sizes = [1], strides = [1]} : vector<16xi32> to vector<1xi32>
    %squeeze3A_456 = vector.extract %slice3A_455[0] : i32 from vector<1xi32>
    %add3A_457 = arith.addi %add3A_433, %squeeze3A_456 : i32
    %get3A_458 = arith.constant 288 : index
    %get3A_459 = tpu.vector_load %arg4[%get3A_458] {strides = array<i32>} : memref<1024xi32, #tpu.memory_space<vmem>>, vector<16xi32>,
    %sub3A_460 = arith.constant 1 : i32
    %sub3A_461 = vector.broadcast %sub3A_460 : i32 to vector<16xi32>
    %sub3A_462 = arith.subi %sub3A_461, %get3A_459 : vector<16xi32>
    %broadcast_in_dim3A_463 = arith.constant true
    %broadcast_in_dim3A_464 = vector.broadcast %broadcast_in_dim3A_463 : i1 to vector<16xi1>
    %masked_cumsum3A_465 = tpu.scan <sum>, %sub3A_462 masked %broadcast_in_dim3A_464 : vector<16xi32>, vector<16xi1> -> vector<16xi32>
    %add3A_466 = vector.broadcast %add3A_457 : i32 to vector<16xi32>
    %add3A_467 = arith.addi %add3A_466, %masked_cumsum3A_465 : vector<16xi32>
    %sub3A_468 = arith.constant 1 : i32
    %sub3A_469 = vector.broadcast %sub3A_468 : i32 to vector<16xi32>
    %sub3A_470 = arith.subi %add3A_467, %sub3A_469 : vector<16xi32>
    %eq3A_471 = arith.constant 1 : i32
    %eq3A_472 = vector.broadcast %eq3A_471 : i32 to vector<16xi32>
    %eq3A_473 = arith.cmpi eq, %sub3A_462, %eq3A_472 : vector<16xi32>
    %jit3A_474 = arith.constant -1 : i32
    %broadcast_in_dim3A_475 = vector.broadcast %jit3A_474 : i32 to vector<16xi32>
    %select_n3A_476 = arith.select %eq3A_473, %sub3A_470, %broadcast_in_dim3A_475 : vector<16xi1>, vector<16xi32>
    %swap3A_477 = arith.constant 288 : index
    %swap3A_478 = tpu.vector_load %arg5[%swap3A_477] {strides = array<i32>} : memref<1024xi32, #tpu.memory_space<vmem>>, vector<16xi32>,
    tpu.vector_store %arg5[%swap3A_477], %select_n3A_476 {strides = array<i32>} : memref<1024xi32, #tpu.memory_space<vmem>>, vector<16xi32>,
    %slice3A_479 = vector.extract_strided_slice %masked_cumsum3A_465 {offsets = [15], sizes = [1], strides = [1]} : vector<16xi32> to vector<1xi32>
    %squeeze3A_480 = vector.extract %slice3A_479[0] : i32 from vector<1xi32>
    %add3A_481 = arith.addi %add3A_457, %squeeze3A_480 : i32
    %get3A_482 = arith.constant 304 : index
    %get3A_483 = tpu.vector_load %arg4[%get3A_482] {strides = array<i32>} : memref<1024xi32, #tpu.memory_space<vmem>>, vector<16xi32>,
    %sub3A_484 = arith.constant 1 : i32
    %sub3A_485 = vector.broadcast %sub3A_484 : i32 to vector<16xi32>
    %sub3A_486 = arith.subi %sub3A_485, %get3A_483 : vector<16xi32>
    %broadcast_in_dim3A_487 = arith.constant true
    %broadcast_in_dim3A_488 = vector.broadcast %broadcast_in_dim3A_487 : i1 to vector<16xi1>
    %masked_cumsum3A_489 = tpu.scan <sum>, %sub3A_486 masked %broadcast_in_dim3A_488 : vector<16xi32>, vector<16xi1> -> vector<16xi32>
    %add3A_490 = vector.broadcast %add3A_481 : i32 to vector<16xi32>
    %add3A_491 = arith.addi %add3A_490, %masked_cumsum3A_489 : vector<16xi32>
    %sub3A_492 = arith.constant 1 : i32
    %sub3A_493 = vector.broadcast %sub3A_492 : i32 to vector<16xi32>
    %sub3A_494 = arith.subi %add3A_491, %sub3A_493 : vector<16xi32>
    %eq3A_495 = arith.constant 1 : i32
    %eq3A_496 = vector.broadcast %eq3A_495 : i32 to vector<16xi32>
    %eq3A_497 = arith.cmpi eq, %sub3A_486, %eq3A_496 : vector<16xi32>
    %jit3A_498 = arith.constant -1 : i32
    %broadcast_in_dim3A_499 = vector.broadcast %jit3A_498 : i32 to vector<16xi32>
    %select_n3A_500 = arith.select %eq3A_497, %sub3A_494, %broadcast_in_dim3A_499 : vector<16xi1>, vector<16xi32>
    %swap3A_501 = arith.constant 304 : index
    %swap3A_502 = tpu.vector_load %arg5[%swap3A_501] {strides = array<i32>} : memref<1024xi32, #tpu.memory_space<vmem>>, vector<16xi32>,
    tpu.vector_store %arg5[%swap3A_501], %select_n3A_500 {strides = array<i32>} : memref<1024xi32, #tpu.memory_space<vmem>>, vector<16xi32>,
    %slice3A_503 = vector.extract_strided_slice %masked_cumsum3A_489 {offsets = [15], sizes = [1], strides = [1]} : vector<16xi32> to vector<1xi32>
    %squeeze3A_504 = vector.extract %slice3A_503[0] : i32 from vector<1xi32>
    %add3A_505 = arith.addi %add3A_481, %squeeze3A_504 : i32
    %get3A_506 = arith.constant 320 : index
    %get3A_507 = tpu.vector_load %arg4[%get3A_506] {strides = array<i32>} : memref<1024xi32, #tpu.memory_space<vmem>>, vector<16xi32>,
    %sub3A_508 = arith.constant 1 : i32
    %sub3A_509 = vector.broadcast %sub3A_508 : i32 to vector<16xi32>
    %sub3A_510 = arith.subi %sub3A_509, %get3A_507 : vector<16xi32>
    %broadcast_in_dim3A_511 = arith.constant true
    %broadcast_in_dim3A_512 = vector.broadcast %broadcast_in_dim3A_511 : i1 to vector<16xi1>
    %masked_cumsum3A_513 = tpu.scan <sum>, %sub3A_510 masked %broadcast_in_dim3A_512 : vector<16xi32>, vector<16xi1> -> vector<16xi32>
    %add3A_514 = vector.broadcast %add3A_505 : i32 to vector<16xi32>
    %add3A_515 = arith.addi %add3A_514, %masked_cumsum3A_513 : vector<16xi32>
    %sub3A_516 = arith.constant 1 : i32
    %sub3A_517 = vector.broadcast %sub3A_516 : i32 to vector<16xi32>
    %sub3A_518 = arith.subi %add3A_515, %sub3A_517 : vector<16xi32>
    %eq3A_519 = arith.constant 1 : i32
    %eq3A_520 = vector.broadcast %eq3A_519 : i32 to vector<16xi32>
    %eq3A_521 = arith.cmpi eq, %sub3A_510, %eq3A_520 : vector<16xi32>
    %jit3A_522 = arith.constant -1 : i32
    %broadcast_in_dim3A_523 = vector.broadcast %jit3A_522 : i32 to vector<16xi32>
    %select_n3A_524 = arith.select %eq3A_521, %sub3A_518, %broadcast_in_dim3A_523 : vector<16xi1>, vector<16xi32>
    %swap3A_525 = arith.constant 320 : index
    %swap3A_526 = tpu.vector_load %arg5[%swap3A_525] {strides = array<i32>} : memref<1024xi32, #tpu.memory_space<vmem>>, vector<16xi32>,
    tpu.vector_store %arg5[%swap3A_525], %select_n3A_524 {strides = array<i32>} : memref<1024xi32, #tpu.memory_space<vmem>>, vector<16xi32>,
    %slice3A_527 = vector.extract_strided_slice %masked_cumsum3A_513 {offsets = [15], sizes = [1], strides = [1]} : vector<16xi32> to vector<1xi32>
    %squeeze3A_528 = vector.extract %slice3A_527[0] : i32 from vector<1xi32>
    %add3A_529 = arith.addi %add3A_505, %squeeze3A_528 : i32
    %get3A_530 = arith.constant 336 : index
    %get3A_531 = tpu.vector_load %arg4[%get3A_530] {strides = array<i32>} : memref<1024xi32, #tpu.memory_space<vmem>>, vector<16xi32>,
    %sub3A_532 = arith.constant 1 : i32
    %sub3A_533 = vector.broadcast %sub3A_532 : i32 to vector<16xi32>
    %sub3A_534 = arith.subi %sub3A_533, %get3A_531 : vector<16xi32>
    %broadcast_in_dim3A_535 = arith.constant true
    %broadcast_in_dim3A_536 = vector.broadcast %broadcast_in_dim3A_535 : i1 to vector<16xi1>
    %masked_cumsum3A_537 = tpu.scan <sum>, %sub3A_534 masked %broadcast_in_dim3A_536 : vector<16xi32>, vector<16xi1> -> vector<16xi32>
    %add3A_538 = vector.broadcast %add3A_529 : i32 to vector<16xi32>
    %add3A_539 = arith.addi %add3A_538, %masked_cumsum3A_537 : vector<16xi32>
    %sub3A_540 = arith.constant 1 : i32
    %sub3A_541 = vector.broadcast %sub3A_540 : i32 to vector<16xi32>
    %sub3A_542 = arith.subi %add3A_539, %sub3A_541 : vector<16xi32>
    %eq3A_543 = arith.constant 1 : i32
    %eq3A_544 = vector.broadcast %eq3A_543 : i32 to vector<16xi32>
    %eq3A_545 = arith.cmpi eq, %sub3A_534, %eq3A_544 : vector<16xi32>
    %jit3A_546 = arith.constant -1 : i32
    %broadcast_in_dim3A_547 = vector.broadcast %jit3A_546 : i32 to vector<16xi32>
    %select_n3A_548 = arith.select %eq3A_545, %sub3A_542, %broadcast_in_dim3A_547 : vector<16xi1>, vector<16xi32>
    %swap3A_549 = arith.constant 336 : index
    %swap3A_550 = tpu.vector_load %arg5[%swap3A_549] {strides = array<i32>} : memref<1024xi32, #tpu.memory_space<vmem>>, vector<16xi32>,
    tpu.vector_store %arg5[%swap3A_549], %select_n3A_548 {strides = array<i32>} : memref<1024xi32, #tpu.memory_space<vmem>>, vector<16xi32>,
    %slice3A_551 = vector.extract_strided_slice %masked_cumsum3A_537 {offsets = [15], sizes = [1], strides = [1]} : vector<16xi32> to vector<1xi32>
    %squeeze3A_552 = vector.extract %slice3A_551[0] : i32 from vector<1xi32>
    %add3A_553 = arith.addi %add3A_529, %squeeze3A_552 : i32
    %get3A_554 = arith.constant 352 : index
    %get3A_555 = tpu.vector_load %arg4[%get3A_554] {strides = array<i32>} : memref<1024xi32, #tpu.memory_space<vmem>>, vector<16xi32>,
    %sub3A_556 = arith.constant 1 : i32
    %sub3A_557 = vector.broadcast %sub3A_556 : i32 to vector<16xi32>
    %sub3A_558 = arith.subi %sub3A_557, %get3A_555 : vector<16xi32>
    %broadcast_in_dim3A_559 = arith.constant true
    %broadcast_in_dim3A_560 = vector.broadcast %broadcast_in_dim3A_559 : i1 to vector<16xi1>
    %masked_cumsum3A_561 = tpu.scan <sum>, %sub3A_558 masked %broadcast_in_dim3A_560 : vector<16xi32>, vector<16xi1> -> vector<16xi32>
    %add3A_562 = vector.broadcast %add3A_553 : i32 to vector<16xi32>
    %add3A_563 = arith.addi %add3A_562, %masked_cumsum3A_561 : vector<16xi32>
    %sub3A_564 = arith.constant 1 : i32
    %sub3A_565 = vector.broadcast %sub3A_564 : i32 to vector<16xi32>
    %sub3A_566 = arith.subi %add3A_563, %sub3A_565 : vector<16xi32>
    %eq3A_567 = arith.constant 1 : i32
    %eq3A_568 = vector.broadcast %eq3A_567 : i32 to vector<16xi32>
    %eq3A_569 = arith.cmpi eq, %sub3A_558, %eq3A_568 : vector<16xi32>
    %jit3A_570 = arith.constant -1 : i32
    %broadcast_in_dim3A_571 = vector.broadcast %jit3A_570 : i32 to vector<16xi32>
    %select_n3A_572 = arith.select %eq3A_569, %sub3A_566, %broadcast_in_dim3A_571 : vector<16xi1>, vector<16xi32>
    %swap3A_573 = arith.constant 352 : index
    %swap3A_574 = tpu.vector_load %arg5[%swap3A_573] {strides = array<i32>} : memref<1024xi32, #tpu.memory_space<vmem>>, vector<16xi32>,
    tpu.vector_store %arg5[%swap3A_573], %select_n3A_572 {strides = array<i32>} : memref<1024xi32, #tpu.memory_space<vmem>>, vector<16xi32>,
    %slice3A_575 = vector.extract_strided_slice %masked_cumsum3A_561 {offsets = [15], sizes = [1], strides = [1]} : vector<16xi32> to vector<1xi32>
    %squeeze3A_576 = vector.extract %slice3A_575[0] : i32 from vector<1xi32>
    %add3A_577 = arith.addi %add3A_553, %squeeze3A_576 : i32
    %get3A_578 = arith.constant 368 : index
    %get3A_579 = tpu.vector_load %arg4[%get3A_578] {strides = array<i32>} : memref<1024xi32, #tpu.memory_space<vmem>>, vector<16xi32>,
    %sub3A_580 = arith.constant 1 : i32
    %sub3A_581 = vector.broadcast %sub3A_580 : i32 to vector<16xi32>
    %sub3A_582 = arith.subi %sub3A_581, %get3A_579 : vector<16xi32>
    %broadcast_in_dim3A_583 = arith.constant true
    %broadcast_in_dim3A_584 = vector.broadcast %broadcast_in_dim3A_583 : i1 to vector<16xi1>
    %masked_cumsum3A_585 = tpu.scan <sum>, %sub3A_582 masked %broadcast_in_dim3A_584 : vector<16xi32>, vector<16xi1> -> vector<16xi32>
    %add3A_586 = vector.broadcast %add3A_577 : i32 to vector<16xi32>
    %add3A_587 = arith.addi %add3A_586, %masked_cumsum3A_585 : vector<16xi32>
    %sub3A_588 = arith.constant 1 : i32
    %sub3A_589 = vector.broadcast %sub3A_588 : i32 to vector<16xi32>
    %sub3A_590 = arith.subi %add3A_587, %sub3A_589 : vector<16xi32>
    %eq3A_591 = arith.constant 1 : i32
    %eq3A_592 = vector.broadcast %eq3A_591 : i32 to vector<16xi32>
    %eq3A_593 = arith.cmpi eq, %sub3A_582, %eq3A_592 : vector<16xi32>
    %jit3A_594 = arith.constant -1 : i32
    %broadcast_in_dim3A_595 = vector.broadcast %jit3A_594 : i32 to vector<16xi32>
    %select_n3A_596 = arith.select %eq3A_593, %sub3A_590, %broadcast_in_dim3A_595 : vector<16xi1>, vector<16xi32>
    %swap3A_597 = arith.constant 368 : index
    %swap3A_598 = tpu.vector_load %arg5[%swap3A_597] {strides = array<i32>} : memref<1024xi32, #tpu.memory_space<vmem>>, vector<16xi32>,
    tpu.vector_store %arg5[%swap3A_597], %select_n3A_596 {strides = array<i32>} : memref<1024xi32, #tpu.memory_space<vmem>>, vector<16xi32>,
    %slice3A_599 = vector.extract_strided_slice %masked_cumsum3A_585 {offsets = [15], sizes = [1], strides = [1]} : vector<16xi32> to vector<1xi32>
    %squeeze3A_600 = vector.extract %slice3A_599[0] : i32 from vector<1xi32>
    %add3A_601 = arith.addi %add3A_577, %squeeze3A_600 : i32
    %get3A_602 = arith.constant 384 : index
    %get3A_603 = tpu.vector_load %arg4[%get3A_602] {strides = array<i32>} : memref<1024xi32, #tpu.memory_space<vmem>>, vector<16xi32>,
    %sub3A_604 = arith.constant 1 : i32
    %sub3A_605 = vector.broadcast %sub3A_604 : i32 to vector<16xi32>
    %sub3A_606 = arith.subi %sub3A_605, %get3A_603 : vector<16xi32>
    %broadcast_in_dim3A_607 = arith.constant true
    %broadcast_in_dim3A_608 = vector.broadcast %broadcast_in_dim3A_607 : i1 to vector<16xi1>
    %masked_cumsum3A_609 = tpu.scan <sum>, %sub3A_606 masked %broadcast_in_dim3A_608 : vector<16xi32>, vector<16xi1> -> vector<16xi32>
    %add3A_610 = vector.broadcast %add3A_601 : i32 to vector<16xi32>
    %add3A_611 = arith.addi %add3A_610, %masked_cumsum3A_609 : vector<16xi32>
    %sub3A_612 = arith.constant 1 : i32
    %sub3A_613 = vector.broadcast %sub3A_612 : i32 to vector<16xi32>
    %sub3A_614 = arith.subi %add3A_611, %sub3A_613 : vector<16xi32>
    %eq3A_615 = arith.constant 1 : i32
    %eq3A_616 = vector.broadcast %eq3A_615 : i32 to vector<16xi32>
    %eq3A_617 = arith.cmpi eq, %sub3A_606, %eq3A_616 : vector<16xi32>
    %jit3A_618 = arith.constant -1 : i32
    %broadcast_in_dim3A_619 = vector.broadcast %jit3A_618 : i32 to vector<16xi32>
    %select_n3A_620 = arith.select %eq3A_617, %sub3A_614, %broadcast_in_dim3A_619 : vector<16xi1>, vector<16xi32>
    %swap3A_621 = arith.constant 384 : index
    %swap3A_622 = tpu.vector_load %arg5[%swap3A_621] {strides = array<i32>} : memref<1024xi32, #tpu.memory_space<vmem>>, vector<16xi32>,
    tpu.vector_store %arg5[%swap3A_621], %select_n3A_620 {strides = array<i32>} : memref<1024xi32, #tpu.memory_space<vmem>>, vector<16xi32>,
    %slice3A_623 = vector.extract_strided_slice %masked_cumsum3A_609 {offsets = [15], sizes = [1], strides = [1]} : vector<16xi32> to vector<1xi32>
    %squeeze3A_624 = vector.extract %slice3A_623[0] : i32 from vector<1xi32>
    %add3A_625 = arith.addi %add3A_601, %squeeze3A_624 : i32
    %get3A_626 = arith.constant 400 : index
    %get3A_627 = tpu.vector_load %arg4[%get3A_626] {strides = array<i32>} : memref<1024xi32, #tpu.memory_space<vmem>>, vector<16xi32>,
    %sub3A_628 = arith.constant 1 : i32
    %sub3A_629 = vector.broadcast %sub3A_628 : i32 to vector<16xi32>
    %sub3A_630 = arith.subi %sub3A_629, %get3A_627 : vector<16xi32>
    %broadcast_in_dim3A_631 = arith.constant true
    %broadcast_in_dim3A_632 = vector.broadcast %broadcast_in_dim3A_631 : i1 to vector<16xi1>
    %masked_cumsum3A_633 = tpu.scan <sum>, %sub3A_630 masked %broadcast_in_dim3A_632 : vector<16xi32>, vector<16xi1> -> vector<16xi32>
    %add3A_634 = vector.broadcast %add3A_625 : i32 to vector<16xi32>
    %add3A_635 = arith.addi %add3A_634, %masked_cumsum3A_633 : vector<16xi32>
    %sub3A_636 = arith.constant 1 : i32
    %sub3A_637 = vector.broadcast %sub3A_636 : i32 to vector<16xi32>
    %sub3A_638 = arith.subi %add3A_635, %sub3A_637 : vector<16xi32>
    %eq3A_639 = arith.constant 1 : i32
    %eq3A_640 = vector.broadcast %eq3A_639 : i32 to vector<16xi32>
    %eq3A_641 = arith.cmpi eq, %sub3A_630, %eq3A_640 : vector<16xi32>
    %jit3A_642 = arith.constant -1 : i32
    %broadcast_in_dim3A_643 = vector.broadcast %jit3A_642 : i32 to vector<16xi32>
    %select_n3A_644 = arith.select %eq3A_641, %sub3A_638, %broadcast_in_dim3A_643 : vector<16xi1>, vector<16xi32>
    %swap3A_645 = arith.constant 400 : index
    %swap3A_646 = tpu.vector_load %arg5[%swap3A_645] {strides = array<i32>} : memref<1024xi32, #tpu.memory_space<vmem>>, vector<16xi32>,
    tpu.vector_store %arg5[%swap3A_645], %select_n3A_644 {strides = array<i32>} : memref<1024xi32, #tpu.memory_space<vmem>>, vector<16xi32>,
    %slice3A_647 = vector.extract_strided_slice %masked_cumsum3A_633 {offsets = [15], sizes = [1], strides = [1]} : vector<16xi32> to vector<1xi32>
    %squeeze3A_648 = vector.extract %slice3A_647[0] : i32 from vector<1xi32>
    %add3A_649 = arith.addi %add3A_625, %squeeze3A_648 : i32
    %get3A_650 = arith.constant 416 : index
    %get3A_651 = tpu.vector_load %arg4[%get3A_650] {strides = array<i32>} : memref<1024xi32, #tpu.memory_space<vmem>>, vector<16xi32>,
    %sub3A_652 = arith.constant 1 : i32
    %sub3A_653 = vector.broadcast %sub3A_652 : i32 to vector<16xi32>
    %sub3A_654 = arith.subi %sub3A_653, %get3A_651 : vector<16xi32>
    %broadcast_in_dim3A_655 = arith.constant true
    %broadcast_in_dim3A_656 = vector.broadcast %broadcast_in_dim3A_655 : i1 to vector<16xi1>
    %masked_cumsum3A_657 = tpu.scan <sum>, %sub3A_654 masked %broadcast_in_dim3A_656 : vector<16xi32>, vector<16xi1> -> vector<16xi32>
    %add3A_658 = vector.broadcast %add3A_649 : i32 to vector<16xi32>
    %add3A_659 = arith.addi %add3A_658, %masked_cumsum3A_657 : vector<16xi32>
    %sub3A_660 = arith.constant 1 : i32
    %sub3A_661 = vector.broadcast %sub3A_660 : i32 to vector<16xi32>
    %sub3A_662 = arith.subi %add3A_659, %sub3A_661 : vector<16xi32>
    %eq3A_663 = arith.constant 1 : i32
    %eq3A_664 = vector.broadcast %eq3A_663 : i32 to vector<16xi32>
    %eq3A_665 = arith.cmpi eq, %sub3A_654, %eq3A_664 : vector<16xi32>
    %jit3A_666 = arith.constant -1 : i32
    %broadcast_in_dim3A_667 = vector.broadcast %jit3A_666 : i32 to vector<16xi32>
    %select_n3A_668 = arith.select %eq3A_665, %sub3A_662, %broadcast_in_dim3A_667 : vector<16xi1>, vector<16xi32>
    %swap3A_669 = arith.constant 416 : index
    %swap3A_670 = tpu.vector_load %arg5[%swap3A_669] {strides = array<i32>} : memref<1024xi32, #tpu.memory_space<vmem>>, vector<16xi32>,
    tpu.vector_store %arg5[%swap3A_669], %select_n3A_668 {strides = array<i32>} : memref<1024xi32, #tpu.memory_space<vmem>>, vector<16xi32>,
    %slice3A_671 = vector.extract_strided_slice %masked_cumsum3A_657 {offsets = [15], sizes = [1], strides = [1]} : vector<16xi32> to vector<1xi32>
    %squeeze3A_672 = vector.extract %slice3A_671[0] : i32 from vector<1xi32>
    %add3A_673 = arith.addi %add3A_649, %squeeze3A_672 : i32
    %get3A_674 = arith.constant 432 : index
    %get3A_675 = tpu.vector_load %arg4[%get3A_674] {strides = array<i32>} : memref<1024xi32, #tpu.memory_space<vmem>>, vector<16xi32>,
    %sub3A_676 = arith.constant 1 : i32
    %sub3A_677 = vector.broadcast %sub3A_676 : i32 to vector<16xi32>
    %sub3A_678 = arith.subi %sub3A_677, %get3A_675 : vector<16xi32>
    %broadcast_in_dim3A_679 = arith.constant true
    %broadcast_in_dim3A_680 = vector.broadcast %broadcast_in_dim3A_679 : i1 to vector<16xi1>
    %masked_cumsum3A_681 = tpu.scan <sum>, %sub3A_678 masked %broadcast_in_dim3A_680 : vector<16xi32>, vector<16xi1> -> vector<16xi32>
    %add3A_682 = vector.broadcast %add3A_673 : i32 to vector<16xi32>
    %add3A_683 = arith.addi %add3A_682, %masked_cumsum3A_681 : vector<16xi32>
    %sub3A_684 = arith.constant 1 : i32
    %sub3A_685 = vector.broadcast %sub3A_684 : i32 to vector<16xi32>
    %sub3A_686 = arith.subi %add3A_683, %sub3A_685 : vector<16xi32>
    %eq3A_687 = arith.constant 1 : i32
    %eq3A_688 = vector.broadcast %eq3A_687 : i32 to vector<16xi32>
    %eq3A_689 = arith.cmpi eq, %sub3A_678, %eq3A_688 : vector<16xi32>
    %jit3A_690 = arith.constant -1 : i32
    %broadcast_in_dim3A_691 = vector.broadcast %jit3A_690 : i32 to vector<16xi32>
    %select_n3A_692 = arith.select %eq3A_689, %sub3A_686, %broadcast_in_dim3A_691 : vector<16xi1>, vector<16xi32>
    %swap3A_693 = arith.constant 432 : index
    %swap3A_694 = tpu.vector_load %arg5[%swap3A_693] {strides = array<i32>} : memref<1024xi32, #tpu.memory_space<vmem>>, vector<16xi32>,
    tpu.vector_store %arg5[%swap3A_693], %select_n3A_692 {strides = array<i32>} : memref<1024xi32, #tpu.memory_space<vmem>>, vector<16xi32>,
    %slice3A_695 = vector.extract_strided_slice %masked_cumsum3A_681 {offsets = [15], sizes = [1], strides = [1]} : vector<16xi32> to vector<1xi32>
    %squeeze3A_696 = vector.extract %slice3A_695[0] : i32 from vector<1xi32>
    %add3A_697 = arith.addi %add3A_673, %squeeze3A_696 : i32
    %get3A_698 = arith.constant 448 : index
    %get3A_699 = tpu.vector_load %arg4[%get3A_698] {strides = array<i32>} : memref<1024xi32, #tpu.memory_space<vmem>>, vector<16xi32>,
    %sub3A_700 = arith.constant 1 : i32
    %sub3A_701 = vector.broadcast %sub3A_700 : i32 to vector<16xi32>
    %sub3A_702 = arith.subi %sub3A_701, %get3A_699 : vector<16xi32>
    %broadcast_in_dim3A_703 = arith.constant true
    %broadcast_in_dim3A_704 = vector.broadcast %broadcast_in_dim3A_703 : i1 to vector<16xi1>
    %masked_cumsum3A_705 = tpu.scan <sum>, %sub3A_702 masked %broadcast_in_dim3A_704 : vector<16xi32>, vector<16xi1> -> vector<16xi32>
    %add3A_706 = vector.broadcast %add3A_697 : i32 to vector<16xi32>
    %add3A_707 = arith.addi %add3A_706, %masked_cumsum3A_705 : vector<16xi32>
    %sub3A_708 = arith.constant 1 : i32
    %sub3A_709 = vector.broadcast %sub3A_708 : i32 to vector<16xi32>
    %sub3A_710 = arith.subi %add3A_707, %sub3A_709 : vector<16xi32>
    %eq3A_711 = arith.constant 1 : i32
    %eq3A_712 = vector.broadcast %eq3A_711 : i32 to vector<16xi32>
    %eq3A_713 = arith.cmpi eq, %sub3A_702, %eq3A_712 : vector<16xi32>
    %jit3A_714 = arith.constant -1 : i32
    %broadcast_in_dim3A_715 = vector.broadcast %jit3A_714 : i32 to vector<16xi32>
    %select_n3A_716 = arith.select %eq3A_713, %sub3A_710, %broadcast_in_dim3A_715 : vector<16xi1>, vector<16xi32>
    %swap3A_717 = arith.constant 448 : index
    %swap3A_718 = tpu.vector_load %arg5[%swap3A_717] {strides = array<i32>} : memref<1024xi32, #tpu.memory_space<vmem>>, vector<16xi32>,
    tpu.vector_store %arg5[%swap3A_717], %select_n3A_716 {strides = array<i32>} : memref<1024xi32, #tpu.memory_space<vmem>>, vector<16xi32>,
    %slice3A_719 = vector.extract_strided_slice %masked_cumsum3A_705 {offsets = [15], sizes = [1], strides = [1]} : vector<16xi32> to vector<1xi32>
    %squeeze3A_720 = vector.extract %slice3A_719[0] : i32 from vector<1xi32>
    %add3A_721 = arith.addi %add3A_697, %squeeze3A_720 : i32
    %get3A_722 = arith.constant 464 : index
    %get3A_723 = tpu.vector_load %arg4[%get3A_722] {strides = array<i32>} : memref<1024xi32, #tpu.memory_space<vmem>>, vector<16xi32>,
    %sub3A_724 = arith.constant 1 : i32
    %sub3A_725 = vector.broadcast %sub3A_724 : i32 to vector<16xi32>
    %sub3A_726 = arith.subi %sub3A_725, %get3A_723 : vector<16xi32>
    %broadcast_in_dim3A_727 = arith.constant true
    %broadcast_in_dim3A_728 = vector.broadcast %broadcast_in_dim3A_727 : i1 to vector<16xi1>
    %masked_cumsum3A_729 = tpu.scan <sum>, %sub3A_726 masked %broadcast_in_dim3A_728 : vector<16xi32>, vector<16xi1> -> vector<16xi32>
    %add3A_730 = vector.broadcast %add3A_721 : i32 to vector<16xi32>
    %add3A_731 = arith.addi %add3A_730, %masked_cumsum3A_729 : vector<16xi32>
    %sub3A_732 = arith.constant 1 : i32
    %sub3A_733 = vector.broadcast %sub3A_732 : i32 to vector<16xi32>
    %sub3A_734 = arith.subi %add3A_731, %sub3A_733 : vector<16xi32>
    %eq3A_735 = arith.constant 1 : i32
    %eq3A_736 = vector.broadcast %eq3A_735 : i32 to vector<16xi32>
    %eq3A_737 = arith.cmpi eq, %sub3A_726, %eq3A_736 : vector<16xi32>
    %jit3A_738 = arith.constant -1 : i32
    %broadcast_in_dim3A_739 = vector.broadcast %jit3A_738 : i32 to vector<16xi32>
    %select_n3A_740 = arith.select %eq3A_737, %sub3A_734, %broadcast_in_dim3A_739 : vector<16xi1>, vector<16xi32>
    %swap3A_741 = arith.constant 464 : index
    %swap3A_742 = tpu.vector_load %arg5[%swap3A_741] {strides = array<i32>} : memref<1024xi32, #tpu.memory_space<vmem>>, vector<16xi32>,
    tpu.vector_store %arg5[%swap3A_741], %select_n3A_740 {strides = array<i32>} : memref<1024xi32, #tpu.memory_space<vmem>>, vector<16xi32>,
    %slice3A_743 = vector.extract_strided_slice %masked_cumsum3A_729 {offsets = [15], sizes = [1], strides = [1]} : vector<16xi32> to vector<1xi32>
    %squeeze3A_744 = vector.extract %slice3A_743[0] : i32 from vector<1xi32>
    %add3A_745 = arith.addi %add3A_721, %squeeze3A_744 : i32
    %get3A_746 = arith.constant 480 : index
    %get3A_747 = tpu.vector_load %arg4[%get3A_746] {strides = array<i32>} : memref<1024xi32, #tpu.memory_space<vmem>>, vector<16xi32>,
    %sub3A_748 = arith.constant 1 : i32
    %sub3A_749 = vector.broadcast %sub3A_748 : i32 to vector<16xi32>
    %sub3A_750 = arith.subi %sub3A_749, %get3A_747 : vector<16xi32>
    %broadcast_in_dim3A_751 = arith.constant true
    %broadcast_in_dim3A_752 = vector.broadcast %broadcast_in_dim3A_751 : i1 to vector<16xi1>
    %masked_cumsum3A_753 = tpu.scan <sum>, %sub3A_750 masked %broadcast_in_dim3A_752 : vector<16xi32>, vector<16xi1> -> vector<16xi32>
    %add3A_754 = vector.broadcast %add3A_745 : i32 to vector<16xi32>
    %add3A_755 = arith.addi %add3A_754, %masked_cumsum3A_753 : vector<16xi32>
    %sub3A_756 = arith.constant 1 : i32
    %sub3A_757 = vector.broadcast %sub3A_756 : i32 to vector<16xi32>
    %sub3A_758 = arith.subi %add3A_755, %sub3A_757 : vector<16xi32>
    %eq3A_759 = arith.constant 1 : i32
    %eq3A_760 = vector.broadcast %eq3A_759 : i32 to vector<16xi32>
    %eq3A_761 = arith.cmpi eq, %sub3A_750, %eq3A_760 : vector<16xi32>
    %jit3A_762 = arith.constant -1 : i32
    %broadcast_in_dim3A_763 = vector.broadcast %jit3A_762 : i32 to vector<16xi32>
    %select_n3A_764 = arith.select %eq3A_761, %sub3A_758, %broadcast_in_dim3A_763 : vector<16xi1>, vector<16xi32>
    %swap3A_765 = arith.constant 480 : index
    %swap3A_766 = tpu.vector_load %arg5[%swap3A_765] {strides = array<i32>} : memref<1024xi32, #tpu.memory_space<vmem>>, vector<16xi32>,
    tpu.vector_store %arg5[%swap3A_765], %select_n3A_764 {strides = array<i32>} : memref<1024xi32, #tpu.memory_space<vmem>>, vector<16xi32>,
    %slice3A_767 = vector.extract_strided_slice %masked_cumsum3A_753 {offsets = [15], sizes = [1], strides = [1]} : vector<16xi32> to vector<1xi32>
    %squeeze3A_768 = vector.extract %slice3A_767[0] : i32 from vector<1xi32>
    %add3A_769 = arith.addi %add3A_745, %squeeze3A_768 : i32
    %get3A_770 = arith.constant 496 : index
    %get3A_771 = tpu.vector_load %arg4[%get3A_770] {strides = array<i32>} : memref<1024xi32, #tpu.memory_space<vmem>>, vector<16xi32>,
    %sub3A_772 = arith.constant 1 : i32
    %sub3A_773 = vector.broadcast %sub3A_772 : i32 to vector<16xi32>
    %sub3A_774 = arith.subi %sub3A_773, %get3A_771 : vector<16xi32>
    %broadcast_in_dim3A_775 = arith.constant true
    %broadcast_in_dim3A_776 = vector.broadcast %broadcast_in_dim3A_775 : i1 to vector<16xi1>
    %masked_cumsum3A_777 = tpu.scan <sum>, %sub3A_774 masked %broadcast_in_dim3A_776 : vector<16xi32>, vector<16xi1> -> vector<16xi32>
    %add3A_778 = vector.broadcast %add3A_769 : i32 to vector<16xi32>
    %add3A_779 = arith.addi %add3A_778, %masked_cumsum3A_777 : vector<16xi32>
    %sub3A_780 = arith.constant 1 : i32
    %sub3A_781 = vector.broadcast %sub3A_780 : i32 to vector<16xi32>
    %sub3A_782 = arith.subi %add3A_779, %sub3A_781 : vector<16xi32>
    %eq3A_783 = arith.constant 1 : i32
    %eq3A_784 = vector.broadcast %eq3A_783 : i32 to vector<16xi32>
    %eq3A_785 = arith.cmpi eq, %sub3A_774, %eq3A_784 : vector<16xi32>
    %jit3A_786 = arith.constant -1 : i32
    %broadcast_in_dim3A_787 = vector.broadcast %jit3A_786 : i32 to vector<16xi32>
    %select_n3A_788 = arith.select %eq3A_785, %sub3A_782, %broadcast_in_dim3A_787 : vector<16xi1>, vector<16xi32>
    %swap3A_789 = arith.constant 496 : index
    %swap3A_790 = tpu.vector_load %arg5[%swap3A_789] {strides = array<i32>} : memref<1024xi32, #tpu.memory_space<vmem>>, vector<16xi32>,
    tpu.vector_store %arg5[%swap3A_789], %select_n3A_788 {strides = array<i32>} : memref<1024xi32, #tpu.memory_space<vmem>>, vector<16xi32>,
    %slice3A_791 = vector.extract_strided_slice %masked_cumsum3A_777 {offsets = [15], sizes = [1], strides = [1]} : vector<16xi32> to vector<1xi32>
    %squeeze3A_792 = vector.extract %slice3A_791[0] : i32 from vector<1xi32>
    %add3A_793 = arith.addi %add3A_769, %squeeze3A_792 : i32
    %get3A_794 = arith.constant 512 : index
    %get3A_795 = tpu.vector_load %arg4[%get3A_794] {strides = array<i32>} : memref<1024xi32, #tpu.memory_space<vmem>>, vector<16xi32>,
    %sub3A_796 = arith.constant 1 : i32
    %sub3A_797 = vector.broadcast %sub3A_796 : i32 to vector<16xi32>
    %sub3A_798 = arith.subi %sub3A_797, %get3A_795 : vector<16xi32>
    %broadcast_in_dim3A_799 = arith.constant true
    %broadcast_in_dim3A_800 = vector.broadcast %broadcast_in_dim3A_799 : i1 to vector<16xi1>
    %masked_cumsum3A_801 = tpu.scan <sum>, %sub3A_798 masked %broadcast_in_dim3A_800 : vector<16xi32>, vector<16xi1> -> vector<16xi32>
    %add3A_802 = vector.broadcast %add3A_793 : i32 to vector<16xi32>
    %add3A_803 = arith.addi %add3A_802, %masked_cumsum3A_801 : vector<16xi32>
    %sub3A_804 = arith.constant 1 : i32
    %sub3A_805 = vector.broadcast %sub3A_804 : i32 to vector<16xi32>
    %sub3A_806 = arith.subi %add3A_803, %sub3A_805 : vector<16xi32>
    %eq3A_807 = arith.constant 1 : i32
    %eq3A_808 = vector.broadcast %eq3A_807 : i32 to vector<16xi32>
    %eq3A_809 = arith.cmpi eq, %sub3A_798, %eq3A_808 : vector<16xi32>
    %jit3A_810 = arith.constant -1 : i32
    %broadcast_in_dim3A_811 = vector.broadcast %jit3A_810 : i32 to vector<16xi32>
    %select_n3A_812 = arith.select %eq3A_809, %sub3A_806, %broadcast_in_dim3A_811 : vector<16xi1>, vector<16xi32>
    %swap3A_813 = arith.constant 512 : index
    %swap3A_814 = tpu.vector_load %arg5[%swap3A_813] {strides = array<i32>} : memref<1024xi32, #tpu.memory_space<vmem>>, vector<16xi32>,
    tpu.vector_store %arg5[%swap3A_813], %select_n3A_812 {strides = array<i32>} : memref<1024xi32, #tpu.memory_space<vmem>>, vector<16xi32>,
    %slice3A_815 = vector.extract_strided_slice %masked_cumsum3A_801 {offsets = [15], sizes = [1], strides = [1]} : vector<16xi32> to vector<1xi32>
    %squeeze3A_816 = vector.extract %slice3A_815[0] : i32 from vector<1xi32>
    %add3A_817 = arith.addi %add3A_793, %squeeze3A_816 : i32
    %get3A_818 = arith.constant 528 : index
    %get3A_819 = tpu.vector_load %arg4[%get3A_818] {strides = array<i32>} : memref<1024xi32, #tpu.memory_space<vmem>>, vector<16xi32>,
    %sub3A_820 = arith.constant 1 : i32
    %sub3A_821 = vector.broadcast %sub3A_820 : i32 to vector<16xi32>
    %sub3A_822 = arith.subi %sub3A_821, %get3A_819 : vector<16xi32>
    %broadcast_in_dim3A_823 = arith.constant true
    %broadcast_in_dim3A_824 = vector.broadcast %broadcast_in_dim3A_823 : i1 to vector<16xi1>
    %masked_cumsum3A_825 = tpu.scan <sum>, %sub3A_822 masked %broadcast_in_dim3A_824 : vector<16xi32>, vector<16xi1> -> vector<16xi32>
    %add3A_826 = vector.broadcast %add3A_817 : i32 to vector<16xi32>
    %add3A_827 = arith.addi %add3A_826, %masked_cumsum3A_825 : vector<16xi32>
    %sub3A_828 = arith.constant 1 : i32
    %sub3A_829 = vector.broadcast %sub3A_828 : i32 to vector<16xi32>
    %sub3A_830 = arith.subi %add3A_827, %sub3A_829 : vector<16xi32>
    %eq3A_831 = arith.constant 1 : i32
    %eq3A_832 = vector.broadcast %eq3A_831 : i32 to vector<16xi32>
    %eq3A_833 = arith.cmpi eq, %sub3A_822, %eq3A_832 : vector<16xi32>
    %jit3A_834 = arith.constant -1 : i32
    %broadcast_in_dim3A_835 = vector.broadcast %jit3A_834 : i32 to vector<16xi32>
    %select_n3A_836 = arith.select %eq3A_833, %sub3A_830, %broadcast_in_dim3A_835 : vector<16xi1>, vector<16xi32>
    %swap3A_837 = arith.constant 528 : index
    %swap3A_838 = tpu.vector_load %arg5[%swap3A_837] {strides = array<i32>} : memref<1024xi32, #tpu.memory_space<vmem>>, vector<16xi32>,
    tpu.vector_store %arg5[%swap3A_837], %select_n3A_836 {strides = array<i32>} : memref<1024xi32, #tpu.memory_space<vmem>>, vector<16xi32>,
    %slice3A_839 = vector.extract_strided_slice %masked_cumsum3A_825 {offsets = [15], sizes = [1], strides = [1]} : vector<16xi32> to vector<1xi32>
    %squeeze3A_840 = vector.extract %slice3A_839[0] : i32 from vector<1xi32>
    %add3A_841 = arith.addi %add3A_817, %squeeze3A_840 : i32
    %get3A_842 = arith.constant 544 : index
    %get3A_843 = tpu.vector_load %arg4[%get3A_842] {strides = array<i32>} : memref<1024xi32, #tpu.memory_space<vmem>>, vector<16xi32>,
    %sub3A_844 = arith.constant 1 : i32
    %sub3A_845 = vector.broadcast %sub3A_844 : i32 to vector<16xi32>
    %sub3A_846 = arith.subi %sub3A_845, %get3A_843 : vector<16xi32>
    %broadcast_in_dim3A_847 = arith.constant true
    %broadcast_in_dim3A_848 = vector.broadcast %broadcast_in_dim3A_847 : i1 to vector<16xi1>
    %masked_cumsum3A_849 = tpu.scan <sum>, %sub3A_846 masked %broadcast_in_dim3A_848 : vector<16xi32>, vector<16xi1> -> vector<16xi32>
    %add3A_850 = vector.broadcast %add3A_841 : i32 to vector<16xi32>
    %add3A_851 = arith.addi %add3A_850, %masked_cumsum3A_849 : vector<16xi32>
    %sub3A_852 = arith.constant 1 : i32
    %sub3A_853 = vector.broadcast %sub3A_852 : i32 to vector<16xi32>
    %sub3A_854 = arith.subi %add3A_851, %sub3A_853 : vector<16xi32>
    %eq3A_855 = arith.constant 1 : i32
    %eq3A_856 = vector.broadcast %eq3A_855 : i32 to vector<16xi32>
    %eq3A_857 = arith.cmpi eq, %sub3A_846, %eq3A_856 : vector<16xi32>
    %jit3A_858 = arith.constant -1 : i32
    %broadcast_in_dim3A_859 = vector.broadcast %jit3A_858 : i32 to vector<16xi32>
    %select_n3A_860 = arith.select %eq3A_857, %sub3A_854, %broadcast_in_dim3A_859 : vector<16xi1>, vector<16xi32>
    %swap3A_861 = arith.constant 544 : index
    %swap3A_862 = tpu.vector_load %arg5[%swap3A_861] {strides = array<i32>} : memref<1024xi32, #tpu.memory_space<vmem>>, vector<16xi32>,
    tpu.vector_store %arg5[%swap3A_861], %select_n3A_860 {strides = array<i32>} : memref<1024xi32, #tpu.memory_space<vmem>>, vector<16xi32>,
    %slice3A_863 = vector.extract_strided_slice %masked_cumsum3A_849 {offsets = [15], sizes = [1], strides = [1]} : vector<16xi32> to vector<1xi32>
    %squeeze3A_864 = vector.extract %slice3A_863[0] : i32 from vector<1xi32>
    %add3A_865 = arith.addi %add3A_841, %squeeze3A_864 : i32
    %get3A_866 = arith.constant 560 : index
    %get3A_867 = tpu.vector_load %arg4[%get3A_866] {strides = array<i32>} : memref<1024xi32, #tpu.memory_space<vmem>>, vector<16xi32>,
    %sub3A_868 = arith.constant 1 : i32
    %sub3A_869 = vector.broadcast %sub3A_868 : i32 to vector<16xi32>
    %sub3A_870 = arith.subi %sub3A_869, %get3A_867 : vector<16xi32>
    %broadcast_in_dim3A_871 = arith.constant true
    %broadcast_in_dim3A_872 = vector.broadcast %broadcast_in_dim3A_871 : i1 to vector<16xi1>
    %masked_cumsum3A_873 = tpu.scan <sum>, %sub3A_870 masked %broadcast_in_dim3A_872 : vector<16xi32>, vector<16xi1> -> vector<16xi32>
    %add3A_874 = vector.broadcast %add3A_865 : i32 to vector<16xi32>
    %add3A_875 = arith.addi %add3A_874, %masked_cumsum3A_873 : vector<16xi32>
    %sub3A_876 = arith.constant 1 : i32
    %sub3A_877 = vector.broadcast %sub3A_876 : i32 to vector<16xi32>
    %sub3A_878 = arith.subi %add3A_875, %sub3A_877 : vector<16xi32>
    %eq3A_879 = arith.constant 1 : i32
    %eq3A_880 = vector.broadcast %eq3A_879 : i32 to vector<16xi32>
    %eq3A_881 = arith.cmpi eq, %sub3A_870, %eq3A_880 : vector<16xi32>
    %jit3A_882 = arith.constant -1 : i32
    %broadcast_in_dim3A_883 = vector.broadcast %jit3A_882 : i32 to vector<16xi32>
    %select_n3A_884 = arith.select %eq3A_881, %sub3A_878, %broadcast_in_dim3A_883 : vector<16xi1>, vector<16xi32>
    %swap3A_885 = arith.constant 560 : index
    %swap3A_886 = tpu.vector_load %arg5[%swap3A_885] {strides = array<i32>} : memref<1024xi32, #tpu.memory_space<vmem>>, vector<16xi32>,
    tpu.vector_store %arg5[%swap3A_885], %select_n3A_884 {strides = array<i32>} : memref<1024xi32, #tpu.memory_space<vmem>>, vector<16xi32>,
    %slice3A_887 = vector.extract_strided_slice %masked_cumsum3A_873 {offsets = [15], sizes = [1], strides = [1]} : vector<16xi32> to vector<1xi32>
    %squeeze3A_888 = vector.extract %slice3A_887[0] : i32 from vector<1xi32>
    %add3A_889 = arith.addi %add3A_865, %squeeze3A_888 : i32
    %get3A_890 = arith.constant 576 : index
    %get3A_891 = tpu.vector_load %arg4[%get3A_890] {strides = array<i32>} : memref<1024xi32, #tpu.memory_space<vmem>>, vector<16xi32>,
    %sub3A_892 = arith.constant 1 : i32
    %sub3A_893 = vector.broadcast %sub3A_892 : i32 to vector<16xi32>
    %sub3A_894 = arith.subi %sub3A_893, %get3A_891 : vector<16xi32>
    %broadcast_in_dim3A_895 = arith.constant true
    %broadcast_in_dim3A_896 = vector.broadcast %broadcast_in_dim3A_895 : i1 to vector<16xi1>
    %masked_cumsum3A_897 = tpu.scan <sum>, %sub3A_894 masked %broadcast_in_dim3A_896 : vector<16xi32>, vector<16xi1> -> vector<16xi32>
    %add3A_898 = vector.broadcast %add3A_889 : i32 to vector<16xi32>
    %add3A_899 = arith.addi %add3A_898, %masked_cumsum3A_897 : vector<16xi32>
    %sub3A_900 = arith.constant 1 : i32
    %sub3A_901 = vector.broadcast %sub3A_900 : i32 to vector<16xi32>
    %sub3A_902 = arith.subi %add3A_899, %sub3A_901 : vector<16xi32>
    %eq3A_903 = arith.constant 1 : i32
    %eq3A_904 = vector.broadcast %eq3A_903 : i32 to vector<16xi32>
    %eq3A_905 = arith.cmpi eq, %sub3A_894, %eq3A_904 : vector<16xi32>
    %jit3A_906 = arith.constant -1 : i32
    %broadcast_in_dim3A_907 = vector.broadcast %jit3A_906 : i32 to vector<16xi32>
    %select_n3A_908 = arith.select %eq3A_905, %sub3A_902, %broadcast_in_dim3A_907 : vector<16xi1>, vector<16xi32>
    %swap3A_909 = arith.constant 576 : index
    %swap3A_910 = tpu.vector_load %arg5[%swap3A_909] {strides = array<i32>} : memref<1024xi32, #tpu.memory_space<vmem>>, vector<16xi32>,
    tpu.vector_store %arg5[%swap3A_909], %select_n3A_908 {strides = array<i32>} : memref<1024xi32, #tpu.memory_space<vmem>>, vector<16xi32>,
    %slice3A_911 = vector.extract_strided_slice %masked_cumsum3A_897 {offsets = [15], sizes = [1], strides = [1]} : vector<16xi32> to vector<1xi32>
    %squeeze3A_912 = vector.extract %slice3A_911[0] : i32 from vector<1xi32>
    %add3A_913 = arith.addi %add3A_889, %squeeze3A_912 : i32
    %get3A_914 = arith.constant 592 : index
    %get3A_915 = tpu.vector_load %arg4[%get3A_914] {strides = array<i32>} : memref<1024xi32, #tpu.memory_space<vmem>>, vector<16xi32>,
    %sub3A_916 = arith.constant 1 : i32
    %sub3A_917 = vector.broadcast %sub3A_916 : i32 to vector<16xi32>
    %sub3A_918 = arith.subi %sub3A_917, %get3A_915 : vector<16xi32>
    %broadcast_in_dim3A_919 = arith.constant true
    %broadcast_in_dim3A_920 = vector.broadcast %broadcast_in_dim3A_919 : i1 to vector<16xi1>
    %masked_cumsum3A_921 = tpu.scan <sum>, %sub3A_918 masked %broadcast_in_dim3A_920 : vector<16xi32>, vector<16xi1> -> vector<16xi32>
    %add3A_922 = vector.broadcast %add3A_913 : i32 to vector<16xi32>
    %add3A_923 = arith.addi %add3A_922, %masked_cumsum3A_921 : vector<16xi32>
    %sub3A_924 = arith.constant 1 : i32
    %sub3A_925 = vector.broadcast %sub3A_924 : i32 to vector<16xi32>
    %sub3A_926 = arith.subi %add3A_923, %sub3A_925 : vector<16xi32>
    %eq3A_927 = arith.constant 1 : i32
    %eq3A_928 = vector.broadcast %eq3A_927 : i32 to vector<16xi32>
    %eq3A_929 = arith.cmpi eq, %sub3A_918, %eq3A_928 : vector<16xi32>
    %jit3A_930 = arith.constant -1 : i32
    %broadcast_in_dim3A_931 = vector.broadcast %jit3A_930 : i32 to vector<16xi32>
    %select_n3A_932 = arith.select %eq3A_929, %sub3A_926, %broadcast_in_dim3A_931 : vector<16xi1>, vector<16xi32>
    %swap3A_933 = arith.constant 592 : index
    %swap3A_934 = tpu.vector_load %arg5[%swap3A_933] {strides = array<i32>} : memref<1024xi32, #tpu.memory_space<vmem>>, vector<16xi32>,
    tpu.vector_store %arg5[%swap3A_933], %select_n3A_932 {strides = array<i32>} : memref<1024xi32, #tpu.memory_space<vmem>>, vector<16xi32>,
    %slice3A_935 = vector.extract_strided_slice %masked_cumsum3A_921 {offsets = [15], sizes = [1], strides = [1]} : vector<16xi32> to vector<1xi32>
    %squeeze3A_936 = vector.extract %slice3A_935[0] : i32 from vector<1xi32>
    %add3A_937 = arith.addi %add3A_913, %squeeze3A_936 : i32
    %get3A_938 = arith.constant 608 : index
    %get3A_939 = tpu.vector_load %arg4[%get3A_938] {strides = array<i32>} : memref<1024xi32, #tpu.memory_space<vmem>>, vector<16xi32>,
    %sub3A_940 = arith.constant 1 : i32
    %sub3A_941 = vector.broadcast %sub3A_940 : i32 to vector<16xi32>
    %sub3A_942 = arith.subi %sub3A_941, %get3A_939 : vector<16xi32>
    %broadcast_in_dim3A_943 = arith.constant true
    %broadcast_in_dim3A_944 = vector.broadcast %broadcast_in_dim3A_943 : i1 to vector<16xi1>
    %masked_cumsum3A_945 = tpu.scan <sum>, %sub3A_942 masked %broadcast_in_dim3A_944 : vector<16xi32>, vector<16xi1> -> vector<16xi32>
    %add3A_946 = vector.broadcast %add3A_937 : i32 to vector<16xi32>
    %add3A_947 = arith.addi %add3A_946, %masked_cumsum3A_945 : vector<16xi32>
    %sub3A_948 = arith.constant 1 : i32
    %sub3A_949 = vector.broadcast %sub3A_948 : i32 to vector<16xi32>
    %sub3A_950 = arith.subi %add3A_947, %sub3A_949 : vector<16xi32>
    %eq3A_951 = arith.constant 1 : i32
    %eq3A_952 = vector.broadcast %eq3A_951 : i32 to vector<16xi32>
    %eq3A_953 = arith.cmpi eq, %sub3A_942, %eq3A_952 : vector<16xi32>
    %jit3A_954 = arith.constant -1 : i32
    %broadcast_in_dim3A_955 = vector.broadcast %jit3A_954 : i32 to vector<16xi32>
    %select_n3A_956 = arith.select %eq3A_953, %sub3A_950, %broadcast_in_dim3A_955 : vector<16xi1>, vector<16xi32>
    %swap3A_957 = arith.constant 608 : index
    %swap3A_958 = tpu.vector_load %arg5[%swap3A_957] {strides = array<i32>} : memref<1024xi32, #tpu.memory_space<vmem>>, vector<16xi32>,
    tpu.vector_store %arg5[%swap3A_957], %select_n3A_956 {strides = array<i32>} : memref<1024xi32, #tpu.memory_space<vmem>>, vector<16xi32>,
    %slice3A_959 = vector.extract_strided_slice %masked_cumsum3A_945 {offsets = [15], sizes = [1], strides = [1]} : vector<16xi32> to vector<1xi32>
    %squeeze3A_960 = vector.extract %slice3A_959[0] : i32 from vector<1xi32>
    %add3A_961 = arith.addi %add3A_937, %squeeze3A_960 : i32
    %get3A_962 = arith.constant 624 : index
    %get3A_963 = tpu.vector_load %arg4[%get3A_962] {strides = array<i32>} : memref<1024xi32, #tpu.memory_space<vmem>>, vector<16xi32>,
    %sub3A_964 = arith.constant 1 : i32
    %sub3A_965 = vector.broadcast %sub3A_964 : i32 to vector<16xi32>
    %sub3A_966 = arith.subi %sub3A_965, %get3A_963 : vector<16xi32>
    %broadcast_in_dim3A_967 = arith.constant true
    %broadcast_in_dim3A_968 = vector.broadcast %broadcast_in_dim3A_967 : i1 to vector<16xi1>
    %masked_cumsum3A_969 = tpu.scan <sum>, %sub3A_966 masked %broadcast_in_dim3A_968 : vector<16xi32>, vector<16xi1> -> vector<16xi32>
    %add3A_970 = vector.broadcast %add3A_961 : i32 to vector<16xi32>
    %add3A_971 = arith.addi %add3A_970, %masked_cumsum3A_969 : vector<16xi32>
    %sub3A_972 = arith.constant 1 : i32
    %sub3A_973 = vector.broadcast %sub3A_972 : i32 to vector<16xi32>
    %sub3A_974 = arith.subi %add3A_971, %sub3A_973 : vector<16xi32>
    %eq3A_975 = arith.constant 1 : i32
    %eq3A_976 = vector.broadcast %eq3A_975 : i32 to vector<16xi32>
    %eq3A_977 = arith.cmpi eq, %sub3A_966, %eq3A_976 : vector<16xi32>
    %jit3A_978 = arith.constant -1 : i32
    %broadcast_in_dim3A_979 = vector.broadcast %jit3A_978 : i32 to vector<16xi32>
    %select_n3A_980 = arith.select %eq3A_977, %sub3A_974, %broadcast_in_dim3A_979 : vector<16xi1>, vector<16xi32>
    %swap3A_981 = arith.constant 624 : index
    %swap3A_982 = tpu.vector_load %arg5[%swap3A_981] {strides = array<i32>} : memref<1024xi32, #tpu.memory_space<vmem>>, vector<16xi32>,
    tpu.vector_store %arg5[%swap3A_981], %select_n3A_980 {strides = array<i32>} : memref<1024xi32, #tpu.memory_space<vmem>>, vector<16xi32>,
    %slice3A_983 = vector.extract_strided_slice %masked_cumsum3A_969 {offsets = [15], sizes = [1], strides = [1]} : vector<16xi32> to vector<1xi32>
    %squeeze3A_984 = vector.extract %slice3A_983[0] : i32 from vector<1xi32>
    %add3A_985 = arith.addi %add3A_961, %squeeze3A_984 : i32
    %get3A_986 = arith.constant 640 : index
    %get3A_987 = tpu.vector_load %arg4[%get3A_986] {strides = array<i32>} : memref<1024xi32, #tpu.memory_space<vmem>>, vector<16xi32>,
    %sub3A_988 = arith.constant 1 : i32
    %sub3A_989 = vector.broadcast %sub3A_988 : i32 to vector<16xi32>
    %sub3A_990 = arith.subi %sub3A_989, %get3A_987 : vector<16xi32>
    %broadcast_in_dim3A_991 = arith.constant true
    %broadcast_in_dim3A_992 = vector.broadcast %broadcast_in_dim3A_991 : i1 to vector<16xi1>
    %masked_cumsum3A_993 = tpu.scan <sum>, %sub3A_990 masked %broadcast_in_dim3A_992 : vector<16xi32>, vector<16xi1> -> vector<16xi32>
    %add3A_994 = vector.broadcast %add3A_985 : i32 to vector<16xi32>
    %add3A_995 = arith.addi %add3A_994, %masked_cumsum3A_993 : vector<16xi32>
    %sub3A_996 = arith.constant 1 : i32
    %sub3A_997 = vector.broadcast %sub3A_996 : i32 to vector<16xi32>
    %sub3A_998 = arith.subi %add3A_995, %sub3A_997 : vector<16xi32>
    %eq3A_999 = arith.constant 1 : i32
    %eq3A_1000 = vector.broadcast %eq3A_999 : i32 to vector<16xi32>
    %eq3A_1001 = arith.cmpi eq, %sub3A_990, %eq3A_1000 : vector<16xi32>
    %jit3A_1002 = arith.constant -1 : i32
    %broadcast_in_dim3A_1003 = vector.broadcast %jit3A_1002 : i32 to vector<16xi32>
    %select_n3A_1004 = arith.select %eq3A_1001, %sub3A_998, %broadcast_in_dim3A_1003 : vector<16xi1>, vector<16xi32>
    %swap3A_1005 = arith.constant 640 : index
    %swap3A_1006 = tpu.vector_load %arg5[%swap3A_1005] {strides = array<i32>} : memref<1024xi32, #tpu.memory_space<vmem>>, vector<16xi32>,
    tpu.vector_store %arg5[%swap3A_1005], %select_n3A_1004 {strides = array<i32>} : memref<1024xi32, #tpu.memory_space<vmem>>, vector<16xi32>,
    %slice3A_1007 = vector.extract_strided_slice %masked_cumsum3A_993 {offsets = [15], sizes = [1], strides = [1]} : vector<16xi32> to vector<1xi32>
    %squeeze3A_1008 = vector.extract %slice3A_1007[0] : i32 from vector<1xi32>
    %add3A_1009 = arith.addi %add3A_985, %squeeze3A_1008 : i32
    %get3A_1010 = arith.constant 656 : index
    %get3A_1011 = tpu.vector_load %arg4[%get3A_1010] {strides = array<i32>} : memref<1024xi32, #tpu.memory_space<vmem>>, vector<16xi32>,
    %sub3A_1012 = arith.constant 1 : i32
    %sub3A_1013 = vector.broadcast %sub3A_1012 : i32 to vector<16xi32>
    %sub3A_1014 = arith.subi %sub3A_1013, %get3A_1011 : vector<16xi32>
    %broadcast_in_dim3A_1015 = arith.constant true
    %broadcast_in_dim3A_1016 = vector.broadcast %broadcast_in_dim3A_1015 : i1 to vector<16xi1>
    %masked_cumsum3A_1017 = tpu.scan <sum>, %sub3A_1014 masked %broadcast_in_dim3A_1016 : vector<16xi32>, vector<16xi1> -> vector<16xi32>
    %add3A_1018 = vector.broadcast %add3A_1009 : i32 to vector<16xi32>
    %add3A_1019 = arith.addi %add3A_1018, %masked_cumsum3A_1017 : vector<16xi32>
    %sub3A_1020 = arith.constant 1 : i32
    %sub3A_1021 = vector.broadcast %sub3A_1020 : i32 to vector<16xi32>
    %sub3A_1022 = arith.subi %add3A_1019, %sub3A_1021 : vector<16xi32>
    %eq3A_1023 = arith.constant 1 : i32
    %eq3A_1024 = vector.broadcast %eq3A_1023 : i32 to vector<16xi32>
    %eq3A_1025 = arith.cmpi eq, %sub3A_1014, %eq3A_1024 : vector<16xi32>
    %jit3A_1026 = arith.constant -1 : i32
    %broadcast_in_dim3A_1027 = vector.broadcast %jit3A_1026 : i32 to vector<16xi32>
    %select_n3A_1028 = arith.select %eq3A_1025, %sub3A_1022, %broadcast_in_dim3A_1027 : vector<16xi1>, vector<16xi32>
    %swap3A_1029 = arith.constant 656 : index
    %swap3A_1030 = tpu.vector_load %arg5[%swap3A_1029] {strides = array<i32>} : memref<1024xi32, #tpu.memory_space<vmem>>, vector<16xi32>,
    tpu.vector_store %arg5[%swap3A_1029], %select_n3A_1028 {strides = array<i32>} : memref<1024xi32, #tpu.memory_space<vmem>>, vector<16xi32>,
    %slice3A_1031 = vector.extract_strided_slice %masked_cumsum3A_1017 {offsets = [15], sizes = [1], strides = [1]} : vector<16xi32> to vector<1xi32>
    %squeeze3A_1032 = vector.extract %slice3A_1031[0] : i32 from vector<1xi32>
    %add3A_1033 = arith.addi %add3A_1009, %squeeze3A_1032 : i32
    %get3A_1034 = arith.constant 672 : index
    %get3A_1035 = tpu.vector_load %arg4[%get3A_1034] {strides = array<i32>} : memref<1024xi32, #tpu.memory_space<vmem>>, vector<16xi32>,
    %sub3A_1036 = arith.constant 1 : i32
    %sub3A_1037 = vector.broadcast %sub3A_1036 : i32 to vector<16xi32>
    %sub3A_1038 = arith.subi %sub3A_1037, %get3A_1035 : vector<16xi32>
    %broadcast_in_dim3A_1039 = arith.constant true
    %broadcast_in_dim3A_1040 = vector.broadcast %broadcast_in_dim3A_1039 : i1 to vector<16xi1>
    %masked_cumsum3A_1041 = tpu.scan <sum>, %sub3A_1038 masked %broadcast_in_dim3A_1040 : vector<16xi32>, vector<16xi1> -> vector<16xi32>
    %add3A_1042 = vector.broadcast %add3A_1033 : i32 to vector<16xi32>
    %add3A_1043 = arith.addi %add3A_1042, %masked_cumsum3A_1041 : vector<16xi32>
    %sub3A_1044 = arith.constant 1 : i32
    %sub3A_1045 = vector.broadcast %sub3A_1044 : i32 to vector<16xi32>
    %sub3A_1046 = arith.subi %add3A_1043, %sub3A_1045 : vector<16xi32>
    %eq3A_1047 = arith.constant 1 : i32
    %eq3A_1048 = vector.broadcast %eq3A_1047 : i32 to vector<16xi32>
    %eq3A_1049 = arith.cmpi eq, %sub3A_1038, %eq3A_1048 : vector<16xi32>
    %jit3A_1050 = arith.constant -1 : i32
    %broadcast_in_dim3A_1051 = vector.broadcast %jit3A_1050 : i32 to vector<16xi32>
    %select_n3A_1052 = arith.select %eq3A_1049, %sub3A_1046, %broadcast_in_dim3A_1051 : vector<16xi1>, vector<16xi32>
    %swap3A_1053 = arith.constant 672 : index
    %swap3A_1054 = tpu.vector_load %arg5[%swap3A_1053] {strides = array<i32>} : memref<1024xi32, #tpu.memory_space<vmem>>, vector<16xi32>,
    tpu.vector_store %arg5[%swap3A_1053], %select_n3A_1052 {strides = array<i32>} : memref<1024xi32, #tpu.memory_space<vmem>>, vector<16xi32>,
    %slice3A_1055 = vector.extract_strided_slice %masked_cumsum3A_1041 {offsets = [15], sizes = [1], strides = [1]} : vector<16xi32> to vector<1xi32>
    %squeeze3A_1056 = vector.extract %slice3A_1055[0] : i32 from vector<1xi32>
    %add3A_1057 = arith.addi %add3A_1033, %squeeze3A_1056 : i32
    %get3A_1058 = arith.constant 688 : index
    %get3A_1059 = tpu.vector_load %arg4[%get3A_1058] {strides = array<i32>} : memref<1024xi32, #tpu.memory_space<vmem>>, vector<16xi32>,
    %sub3A_1060 = arith.constant 1 : i32
    %sub3A_1061 = vector.broadcast %sub3A_1060 : i32 to vector<16xi32>
    %sub3A_1062 = arith.subi %sub3A_1061, %get3A_1059 : vector<16xi32>
    %broadcast_in_dim3A_1063 = arith.constant true
    %broadcast_in_dim3A_1064 = vector.broadcast %broadcast_in_dim3A_1063 : i1 to vector<16xi1>
    %masked_cumsum3A_1065 = tpu.scan <sum>, %sub3A_1062 masked %broadcast_in_dim3A_1064 : vector<16xi32>, vector<16xi1> -> vector<16xi32>
    %add3A_1066 = vector.broadcast %add3A_1057 : i32 to vector<16xi32>
    %add3A_1067 = arith.addi %add3A_1066, %masked_cumsum3A_1065 : vector<16xi32>
    %sub3A_1068 = arith.constant 1 : i32
    %sub3A_1069 = vector.broadcast %sub3A_1068 : i32 to vector<16xi32>
    %sub3A_1070 = arith.subi %add3A_1067, %sub3A_1069 : vector<16xi32>
    %eq3A_1071 = arith.constant 1 : i32
    %eq3A_1072 = vector.broadcast %eq3A_1071 : i32 to vector<16xi32>
    %eq3A_1073 = arith.cmpi eq, %sub3A_1062, %eq3A_1072 : vector<16xi32>
    %jit3A_1074 = arith.constant -1 : i32
    %broadcast_in_dim3A_1075 = vector.broadcast %jit3A_1074 : i32 to vector<16xi32>
    %select_n3A_1076 = arith.select %eq3A_1073, %sub3A_1070, %broadcast_in_dim3A_1075 : vector<16xi1>, vector<16xi32>
    %swap3A_1077 = arith.constant 688 : index
    %swap3A_1078 = tpu.vector_load %arg5[%swap3A_1077] {strides = array<i32>} : memref<1024xi32, #tpu.memory_space<vmem>>, vector<16xi32>,
    tpu.vector_store %arg5[%swap3A_1077], %select_n3A_1076 {strides = array<i32>} : memref<1024xi32, #tpu.memory_space<vmem>>, vector<16xi32>,
    %slice3A_1079 = vector.extract_strided_slice %masked_cumsum3A_1065 {offsets = [15], sizes = [1], strides = [1]} : vector<16xi32> to vector<1xi32>
    %squeeze3A_1080 = vector.extract %slice3A_1079[0] : i32 from vector<1xi32>
    %add3A_1081 = arith.addi %add3A_1057, %squeeze3A_1080 : i32
    %get3A_1082 = arith.constant 704 : index
    %get3A_1083 = tpu.vector_load %arg4[%get3A_1082] {strides = array<i32>} : memref<1024xi32, #tpu.memory_space<vmem>>, vector<16xi32>,
    %sub3A_1084 = arith.constant 1 : i32
    %sub3A_1085 = vector.broadcast %sub3A_1084 : i32 to vector<16xi32>
    %sub3A_1086 = arith.subi %sub3A_1085, %get3A_1083 : vector<16xi32>
    %broadcast_in_dim3A_1087 = arith.constant true
    %broadcast_in_dim3A_1088 = vector.broadcast %broadcast_in_dim3A_1087 : i1 to vector<16xi1>
    %masked_cumsum3A_1089 = tpu.scan <sum>, %sub3A_1086 masked %broadcast_in_dim3A_1088 : vector<16xi32>, vector<16xi1> -> vector<16xi32>
    %add3A_1090 = vector.broadcast %add3A_1081 : i32 to vector<16xi32>
    %add3A_1091 = arith.addi %add3A_1090, %masked_cumsum3A_1089 : vector<16xi32>
    %sub3A_1092 = arith.constant 1 : i32
    %sub3A_1093 = vector.broadcast %sub3A_1092 : i32 to vector<16xi32>
    %sub3A_1094 = arith.subi %add3A_1091, %sub3A_1093 : vector<16xi32>
    %eq3A_1095 = arith.constant 1 : i32
    %eq3A_1096 = vector.broadcast %eq3A_1095 : i32 to vector<16xi32>
    %eq3A_1097 = arith.cmpi eq, %sub3A_1086, %eq3A_1096 : vector<16xi32>
    %jit3A_1098 = arith.constant -1 : i32
    %broadcast_in_dim3A_1099 = vector.broadcast %jit3A_1098 : i32 to vector<16xi32>
    %select_n3A_1100 = arith.select %eq3A_1097, %sub3A_1094, %broadcast_in_dim3A_1099 : vector<16xi1>, vector<16xi32>
    %swap3A_1101 = arith.constant 704 : index
    %swap3A_1102 = tpu.vector_load %arg5[%swap3A_1101] {strides = array<i32>} : memref<1024xi32, #tpu.memory_space<vmem>>, vector<16xi32>,
    tpu.vector_store %arg5[%swap3A_1101], %select_n3A_1100 {strides = array<i32>} : memref<1024xi32, #tpu.memory_space<vmem>>, vector<16xi32>,
    %slice3A_1103 = vector.extract_strided_slice %masked_cumsum3A_1089 {offsets = [15], sizes = [1], strides = [1]} : vector<16xi32> to vector<1xi32>
    %squeeze3A_1104 = vector.extract %slice3A_1103[0] : i32 from vector<1xi32>
    %add3A_1105 = arith.addi %add3A_1081, %squeeze3A_1104 : i32
    %get3A_1106 = arith.constant 720 : index
    %get3A_1107 = tpu.vector_load %arg4[%get3A_1106] {strides = array<i32>} : memref<1024xi32, #tpu.memory_space<vmem>>, vector<16xi32>,
    %sub3A_1108 = arith.constant 1 : i32
    %sub3A_1109 = vector.broadcast %sub3A_1108 : i32 to vector<16xi32>
    %sub3A_1110 = arith.subi %sub3A_1109, %get3A_1107 : vector<16xi32>
    %broadcast_in_dim3A_1111 = arith.constant true
    %broadcast_in_dim3A_1112 = vector.broadcast %broadcast_in_dim3A_1111 : i1 to vector<16xi1>
    %masked_cumsum3A_1113 = tpu.scan <sum>, %sub3A_1110 masked %broadcast_in_dim3A_1112 : vector<16xi32>, vector<16xi1> -> vector<16xi32>
    %add3A_1114 = vector.broadcast %add3A_1105 : i32 to vector<16xi32>
    %add3A_1115 = arith.addi %add3A_1114, %masked_cumsum3A_1113 : vector<16xi32>
    %sub3A_1116 = arith.constant 1 : i32
    %sub3A_1117 = vector.broadcast %sub3A_1116 : i32 to vector<16xi32>
    %sub3A_1118 = arith.subi %add3A_1115, %sub3A_1117 : vector<16xi32>
    %eq3A_1119 = arith.constant 1 : i32
    %eq3A_1120 = vector.broadcast %eq3A_1119 : i32 to vector<16xi32>
    %eq3A_1121 = arith.cmpi eq, %sub3A_1110, %eq3A_1120 : vector<16xi32>
    %jit3A_1122 = arith.constant -1 : i32
    %broadcast_in_dim3A_1123 = vector.broadcast %jit3A_1122 : i32 to vector<16xi32>
    %select_n3A_1124 = arith.select %eq3A_1121, %sub3A_1118, %broadcast_in_dim3A_1123 : vector<16xi1>, vector<16xi32>
    %swap3A_1125 = arith.constant 720 : index
    %swap3A_1126 = tpu.vector_load %arg5[%swap3A_1125] {strides = array<i32>} : memref<1024xi32, #tpu.memory_space<vmem>>, vector<16xi32>,
    tpu.vector_store %arg5[%swap3A_1125], %select_n3A_1124 {strides = array<i32>} : memref<1024xi32, #tpu.memory_space<vmem>>, vector<16xi32>,
    %slice3A_1127 = vector.extract_strided_slice %masked_cumsum3A_1113 {offsets = [15], sizes = [1], strides = [1]} : vector<16xi32> to vector<1xi32>
    %squeeze3A_1128 = vector.extract %slice3A_1127[0] : i32 from vector<1xi32>
    %add3A_1129 = arith.addi %add3A_1105, %squeeze3A_1128 : i32
    %get3A_1130 = arith.constant 736 : index
    %get3A_1131 = tpu.vector_load %arg4[%get3A_1130] {strides = array<i32>} : memref<1024xi32, #tpu.memory_space<vmem>>, vector<16xi32>,
    %sub3A_1132 = arith.constant 1 : i32
    %sub3A_1133 = vector.broadcast %sub3A_1132 : i32 to vector<16xi32>
    %sub3A_1134 = arith.subi %sub3A_1133, %get3A_1131 : vector<16xi32>
    %broadcast_in_dim3A_1135 = arith.constant true
    %broadcast_in_dim3A_1136 = vector.broadcast %broadcast_in_dim3A_1135 : i1 to vector<16xi1>
    %masked_cumsum3A_1137 = tpu.scan <sum>, %sub3A_1134 masked %broadcast_in_dim3A_1136 : vector<16xi32>, vector<16xi1> -> vector<16xi32>
    %add3A_1138 = vector.broadcast %add3A_1129 : i32 to vector<16xi32>
    %add3A_1139 = arith.addi %add3A_1138, %masked_cumsum3A_1137 : vector<16xi32>
    %sub3A_1140 = arith.constant 1 : i32
    %sub3A_1141 = vector.broadcast %sub3A_1140 : i32 to vector<16xi32>
    %sub3A_1142 = arith.subi %add3A_1139, %sub3A_1141 : vector<16xi32>
    %eq3A_1143 = arith.constant 1 : i32
    %eq3A_1144 = vector.broadcast %eq3A_1143 : i32 to vector<16xi32>
    %eq3A_1145 = arith.cmpi eq, %sub3A_1134, %eq3A_1144 : vector<16xi32>
    %jit3A_1146 = arith.constant -1 : i32
    %broadcast_in_dim3A_1147 = vector.broadcast %jit3A_1146 : i32 to vector<16xi32>
    %select_n3A_1148 = arith.select %eq3A_1145, %sub3A_1142, %broadcast_in_dim3A_1147 : vector<16xi1>, vector<16xi32>
    %swap3A_1149 = arith.constant 736 : index
    %swap3A_1150 = tpu.vector_load %arg5[%swap3A_1149] {strides = array<i32>} : memref<1024xi32, #tpu.memory_space<vmem>>, vector<16xi32>,
    tpu.vector_store %arg5[%swap3A_1149], %select_n3A_1148 {strides = array<i32>} : memref<1024xi32, #tpu.memory_space<vmem>>, vector<16xi32>,
    %slice3A_1151 = vector.extract_strided_slice %masked_cumsum3A_1137 {offsets = [15], sizes = [1], strides = [1]} : vector<16xi32> to vector<1xi32>
    %squeeze3A_1152 = vector.extract %slice3A_1151[0] : i32 from vector<1xi32>
    %add3A_1153 = arith.addi %add3A_1129, %squeeze3A_1152 : i32
    %get3A_1154 = arith.constant 752 : index
    %get3A_1155 = tpu.vector_load %arg4[%get3A_1154] {strides = array<i32>} : memref<1024xi32, #tpu.memory_space<vmem>>, vector<16xi32>,
    %sub3A_1156 = arith.constant 1 : i32
    %sub3A_1157 = vector.broadcast %sub3A_1156 : i32 to vector<16xi32>
    %sub3A_1158 = arith.subi %sub3A_1157, %get3A_1155 : vector<16xi32>
    %broadcast_in_dim3A_1159 = arith.constant true
    %broadcast_in_dim3A_1160 = vector.broadcast %broadcast_in_dim3A_1159 : i1 to vector<16xi1>
    %masked_cumsum3A_1161 = tpu.scan <sum>, %sub3A_1158 masked %broadcast_in_dim3A_1160 : vector<16xi32>, vector<16xi1> -> vector<16xi32>
    %add3A_1162 = vector.broadcast %add3A_1153 : i32 to vector<16xi32>
    %add3A_1163 = arith.addi %add3A_1162, %masked_cumsum3A_1161 : vector<16xi32>
    %sub3A_1164 = arith.constant 1 : i32
    %sub3A_1165 = vector.broadcast %sub3A_1164 : i32 to vector<16xi32>
    %sub3A_1166 = arith.subi %add3A_1163, %sub3A_1165 : vector<16xi32>
    %eq3A_1167 = arith.constant 1 : i32
    %eq3A_1168 = vector.broadcast %eq3A_1167 : i32 to vector<16xi32>
    %eq3A_1169 = arith.cmpi eq, %sub3A_1158, %eq3A_1168 : vector<16xi32>
    %jit3A_1170 = arith.constant -1 : i32
    %broadcast_in_dim3A_1171 = vector.broadcast %jit3A_1170 : i32 to vector<16xi32>
    %select_n3A_1172 = arith.select %eq3A_1169, %sub3A_1166, %broadcast_in_dim3A_1171 : vector<16xi1>, vector<16xi32>
    %swap3A_1173 = arith.constant 752 : index
    %swap3A_1174 = tpu.vector_load %arg5[%swap3A_1173] {strides = array<i32>} : memref<1024xi32, #tpu.memory_space<vmem>>, vector<16xi32>,
    tpu.vector_store %arg5[%swap3A_1173], %select_n3A_1172 {strides = array<i32>} : memref<1024xi32, #tpu.memory_space<vmem>>, vector<16xi32>,
    %slice3A_1175 = vector.extract_strided_slice %masked_cumsum3A_1161 {offsets = [15], sizes = [1], strides = [1]} : vector<16xi32> to vector<1xi32>
    %squeeze3A_1176 = vector.extract %slice3A_1175[0] : i32 from vector<1xi32>
    %add3A_1177 = arith.addi %add3A_1153, %squeeze3A_1176 : i32
    %get3A_1178 = arith.constant 768 : index
    %get3A_1179 = tpu.vector_load %arg4[%get3A_1178] {strides = array<i32>} : memref<1024xi32, #tpu.memory_space<vmem>>, vector<16xi32>,
    %sub3A_1180 = arith.constant 1 : i32
    %sub3A_1181 = vector.broadcast %sub3A_1180 : i32 to vector<16xi32>
    %sub3A_1182 = arith.subi %sub3A_1181, %get3A_1179 : vector<16xi32>
    %broadcast_in_dim3A_1183 = arith.constant true
    %broadcast_in_dim3A_1184 = vector.broadcast %broadcast_in_dim3A_1183 : i1 to vector<16xi1>
    %masked_cumsum3A_1185 = tpu.scan <sum>, %sub3A_1182 masked %broadcast_in_dim3A_1184 : vector<16xi32>, vector<16xi1> -> vector<16xi32>
    %add3A_1186 = vector.broadcast %add3A_1177 : i32 to vector<16xi32>
    %add3A_1187 = arith.addi %add3A_1186, %masked_cumsum3A_1185 : vector<16xi32>
    %sub3A_1188 = arith.constant 1 : i32
    %sub3A_1189 = vector.broadcast %sub3A_1188 : i32 to vector<16xi32>
    %sub3A_1190 = arith.subi %add3A_1187, %sub3A_1189 : vector<16xi32>
    %eq3A_1191 = arith.constant 1 : i32
    %eq3A_1192 = vector.broadcast %eq3A_1191 : i32 to vector<16xi32>
    %eq3A_1193 = arith.cmpi eq, %sub3A_1182, %eq3A_1192 : vector<16xi32>
    %jit3A_1194 = arith.constant -1 : i32
    %broadcast_in_dim3A_1195 = vector.broadcast %jit3A_1194 : i32 to vector<16xi32>
    %select_n3A_1196 = arith.select %eq3A_1193, %sub3A_1190, %broadcast_in_dim3A_1195 : vector<16xi1>, vector<16xi32>
    %swap3A_1197 = arith.constant 768 : index
    %swap3A_1198 = tpu.vector_load %arg5[%swap3A_1197] {strides = array<i32>} : memref<1024xi32, #tpu.memory_space<vmem>>, vector<16xi32>,
    tpu.vector_store %arg5[%swap3A_1197], %select_n3A_1196 {strides = array<i32>} : memref<1024xi32, #tpu.memory_space<vmem>>, vector<16xi32>,
    %slice3A_1199 = vector.extract_strided_slice %masked_cumsum3A_1185 {offsets = [15], sizes = [1], strides = [1]} : vector<16xi32> to vector<1xi32>
    %squeeze3A_1200 = vector.extract %slice3A_1199[0] : i32 from vector<1xi32>
    %add3A_1201 = arith.addi %add3A_1177, %squeeze3A_1200 : i32
    %get3A_1202 = arith.constant 784 : index
    %get3A_1203 = tpu.vector_load %arg4[%get3A_1202] {strides = array<i32>} : memref<1024xi32, #tpu.memory_space<vmem>>, vector<16xi32>,
    %sub3A_1204 = arith.constant 1 : i32
    %sub3A_1205 = vector.broadcast %sub3A_1204 : i32 to vector<16xi32>
    %sub3A_1206 = arith.subi %sub3A_1205, %get3A_1203 : vector<16xi32>
    %broadcast_in_dim3A_1207 = arith.constant true
    %broadcast_in_dim3A_1208 = vector.broadcast %broadcast_in_dim3A_1207 : i1 to vector<16xi1>
    %masked_cumsum3A_1209 = tpu.scan <sum>, %sub3A_1206 masked %broadcast_in_dim3A_1208 : vector<16xi32>, vector<16xi1> -> vector<16xi32>
    %add3A_1210 = vector.broadcast %add3A_1201 : i32 to vector<16xi32>
    %add3A_1211 = arith.addi %add3A_1210, %masked_cumsum3A_1209 : vector<16xi32>
    %sub3A_1212 = arith.constant 1 : i32
    %sub3A_1213 = vector.broadcast %sub3A_1212 : i32 to vector<16xi32>
    %sub3A_1214 = arith.subi %add3A_1211, %sub3A_1213 : vector<16xi32>
    %eq3A_1215 = arith.constant 1 : i32
    %eq3A_1216 = vector.broadcast %eq3A_1215 : i32 to vector<16xi32>
    %eq3A_1217 = arith.cmpi eq, %sub3A_1206, %eq3A_1216 : vector<16xi32>
    %jit3A_1218 = arith.constant -1 : i32
    %broadcast_in_dim3A_1219 = vector.broadcast %jit3A_1218 : i32 to vector<16xi32>
    %select_n3A_1220 = arith.select %eq3A_1217, %sub3A_1214, %broadcast_in_dim3A_1219 : vector<16xi1>, vector<16xi32>
    %swap3A_1221 = arith.constant 784 : index
    %swap3A_1222 = tpu.vector_load %arg5[%swap3A_1221] {strides = array<i32>} : memref<1024xi32, #tpu.memory_space<vmem>>, vector<16xi32>,
    tpu.vector_store %arg5[%swap3A_1221], %select_n3A_1220 {strides = array<i32>} : memref<1024xi32, #tpu.memory_space<vmem>>, vector<16xi32>,
    %slice3A_1223 = vector.extract_strided_slice %masked_cumsum3A_1209 {offsets = [15], sizes = [1], strides = [1]} : vector<16xi32> to vector<1xi32>
    %squeeze3A_1224 = vector.extract %slice3A_1223[0] : i32 from vector<1xi32>
    %add3A_1225 = arith.addi %add3A_1201, %squeeze3A_1224 : i32
    %get3A_1226 = arith.constant 800 : index
    %get3A_1227 = tpu.vector_load %arg4[%get3A_1226] {strides = array<i32>} : memref<1024xi32, #tpu.memory_space<vmem>>, vector<16xi32>,
    %sub3A_1228 = arith.constant 1 : i32
    %sub3A_1229 = vector.broadcast %sub3A_1228 : i32 to vector<16xi32>
    %sub3A_1230 = arith.subi %sub3A_1229, %get3A_1227 : vector<16xi32>
    %broadcast_in_dim3A_1231 = arith.constant true
    %broadcast_in_dim3A_1232 = vector.broadcast %broadcast_in_dim3A_1231 : i1 to vector<16xi1>
    %masked_cumsum3A_1233 = tpu.scan <sum>, %sub3A_1230 masked %broadcast_in_dim3A_1232 : vector<16xi32>, vector<16xi1> -> vector<16xi32>
    %add3A_1234 = vector.broadcast %add3A_1225 : i32 to vector<16xi32>
    %add3A_1235 = arith.addi %add3A_1234, %masked_cumsum3A_1233 : vector<16xi32>
    %sub3A_1236 = arith.constant 1 : i32
    %sub3A_1237 = vector.broadcast %sub3A_1236 : i32 to vector<16xi32>
    %sub3A_1238 = arith.subi %add3A_1235, %sub3A_1237 : vector<16xi32>
    %eq3A_1239 = arith.constant 1 : i32
    %eq3A_1240 = vector.broadcast %eq3A_1239 : i32 to vector<16xi32>
    %eq3A_1241 = arith.cmpi eq, %sub3A_1230, %eq3A_1240 : vector<16xi32>
    %jit3A_1242 = arith.constant -1 : i32
    %broadcast_in_dim3A_1243 = vector.broadcast %jit3A_1242 : i32 to vector<16xi32>
    %select_n3A_1244 = arith.select %eq3A_1241, %sub3A_1238, %broadcast_in_dim3A_1243 : vector<16xi1>, vector<16xi32>
    %swap3A_1245 = arith.constant 800 : index
    %swap3A_1246 = tpu.vector_load %arg5[%swap3A_1245] {strides = array<i32>} : memref<1024xi32, #tpu.memory_space<vmem>>, vector<16xi32>,
    tpu.vector_store %arg5[%swap3A_1245], %select_n3A_1244 {strides = array<i32>} : memref<1024xi32, #tpu.memory_space<vmem>>, vector<16xi32>,
    %slice3A_1247 = vector.extract_strided_slice %masked_cumsum3A_1233 {offsets = [15], sizes = [1], strides = [1]} : vector<16xi32> to vector<1xi32>
    %squeeze3A_1248 = vector.extract %slice3A_1247[0] : i32 from vector<1xi32>
    %add3A_1249 = arith.addi %add3A_1225, %squeeze3A_1248 : i32
    %get3A_1250 = arith.constant 816 : index
    %get3A_1251 = tpu.vector_load %arg4[%get3A_1250] {strides = array<i32>} : memref<1024xi32, #tpu.memory_space<vmem>>, vector<16xi32>,
    %sub3A_1252 = arith.constant 1 : i32
    %sub3A_1253 = vector.broadcast %sub3A_1252 : i32 to vector<16xi32>
    %sub3A_1254 = arith.subi %sub3A_1253, %get3A_1251 : vector<16xi32>
    %broadcast_in_dim3A_1255 = arith.constant true
    %broadcast_in_dim3A_1256 = vector.broadcast %broadcast_in_dim3A_1255 : i1 to vector<16xi1>
    %masked_cumsum3A_1257 = tpu.scan <sum>, %sub3A_1254 masked %broadcast_in_dim3A_1256 : vector<16xi32>, vector<16xi1> -> vector<16xi32>
    %add3A_1258 = vector.broadcast %add3A_1249 : i32 to vector<16xi32>
    %add3A_1259 = arith.addi %add3A_1258, %masked_cumsum3A_1257 : vector<16xi32>
    %sub3A_1260 = arith.constant 1 : i32
    %sub3A_1261 = vector.broadcast %sub3A_1260 : i32 to vector<16xi32>
    %sub3A_1262 = arith.subi %add3A_1259, %sub3A_1261 : vector<16xi32>
    %eq3A_1263 = arith.constant 1 : i32
    %eq3A_1264 = vector.broadcast %eq3A_1263 : i32 to vector<16xi32>
    %eq3A_1265 = arith.cmpi eq, %sub3A_1254, %eq3A_1264 : vector<16xi32>
    %jit3A_1266 = arith.constant -1 : i32
    %broadcast_in_dim3A_1267 = vector.broadcast %jit3A_1266 : i32 to vector<16xi32>
    %select_n3A_1268 = arith.select %eq3A_1265, %sub3A_1262, %broadcast_in_dim3A_1267 : vector<16xi1>, vector<16xi32>
    %swap3A_1269 = arith.constant 816 : index
    %swap3A_1270 = tpu.vector_load %arg5[%swap3A_1269] {strides = array<i32>} : memref<1024xi32, #tpu.memory_space<vmem>>, vector<16xi32>,
    tpu.vector_store %arg5[%swap3A_1269], %select_n3A_1268 {strides = array<i32>} : memref<1024xi32, #tpu.memory_space<vmem>>, vector<16xi32>,
    %slice3A_1271 = vector.extract_strided_slice %masked_cumsum3A_1257 {offsets = [15], sizes = [1], strides = [1]} : vector<16xi32> to vector<1xi32>
    %squeeze3A_1272 = vector.extract %slice3A_1271[0] : i32 from vector<1xi32>
    %add3A_1273 = arith.addi %add3A_1249, %squeeze3A_1272 : i32
    %get3A_1274 = arith.constant 832 : index
    %get3A_1275 = tpu.vector_load %arg4[%get3A_1274] {strides = array<i32>} : memref<1024xi32, #tpu.memory_space<vmem>>, vector<16xi32>,
    %sub3A_1276 = arith.constant 1 : i32
    %sub3A_1277 = vector.broadcast %sub3A_1276 : i32 to vector<16xi32>
    %sub3A_1278 = arith.subi %sub3A_1277, %get3A_1275 : vector<16xi32>
    %broadcast_in_dim3A_1279 = arith.constant true
    %broadcast_in_dim3A_1280 = vector.broadcast %broadcast_in_dim3A_1279 : i1 to vector<16xi1>
    %masked_cumsum3A_1281 = tpu.scan <sum>, %sub3A_1278 masked %broadcast_in_dim3A_1280 : vector<16xi32>, vector<16xi1> -> vector<16xi32>
    %add3A_1282 = vector.broadcast %add3A_1273 : i32 to vector<16xi32>
    %add3A_1283 = arith.addi %add3A_1282, %masked_cumsum3A_1281 : vector<16xi32>
    %sub3A_1284 = arith.constant 1 : i32
    %sub3A_1285 = vector.broadcast %sub3A_1284 : i32 to vector<16xi32>
    %sub3A_1286 = arith.subi %add3A_1283, %sub3A_1285 : vector<16xi32>
    %eq3A_1287 = arith.constant 1 : i32
    %eq3A_1288 = vector.broadcast %eq3A_1287 : i32 to vector<16xi32>
    %eq3A_1289 = arith.cmpi eq, %sub3A_1278, %eq3A_1288 : vector<16xi32>
    %jit3A_1290 = arith.constant -1 : i32
    %broadcast_in_dim3A_1291 = vector.broadcast %jit3A_1290 : i32 to vector<16xi32>
    %select_n3A_1292 = arith.select %eq3A_1289, %sub3A_1286, %broadcast_in_dim3A_1291 : vector<16xi1>, vector<16xi32>
    %swap3A_1293 = arith.constant 832 : index
    %swap3A_1294 = tpu.vector_load %arg5[%swap3A_1293] {strides = array<i32>} : memref<1024xi32, #tpu.memory_space<vmem>>, vector<16xi32>,
    tpu.vector_store %arg5[%swap3A_1293], %select_n3A_1292 {strides = array<i32>} : memref<1024xi32, #tpu.memory_space<vmem>>, vector<16xi32>,
    %slice3A_1295 = vector.extract_strided_slice %masked_cumsum3A_1281 {offsets = [15], sizes = [1], strides = [1]} : vector<16xi32> to vector<1xi32>
    %squeeze3A_1296 = vector.extract %slice3A_1295[0] : i32 from vector<1xi32>
    %add3A_1297 = arith.addi %add3A_1273, %squeeze3A_1296 : i32
    %get3A_1298 = arith.constant 848 : index
    %get3A_1299 = tpu.vector_load %arg4[%get3A_1298] {strides = array<i32>} : memref<1024xi32, #tpu.memory_space<vmem>>, vector<16xi32>,
    %sub3A_1300 = arith.constant 1 : i32
    %sub3A_1301 = vector.broadcast %sub3A_1300 : i32 to vector<16xi32>
    %sub3A_1302 = arith.subi %sub3A_1301, %get3A_1299 : vector<16xi32>
    %broadcast_in_dim3A_1303 = arith.constant true
    %broadcast_in_dim3A_1304 = vector.broadcast %broadcast_in_dim3A_1303 : i1 to vector<16xi1>
    %masked_cumsum3A_1305 = tpu.scan <sum>, %sub3A_1302 masked %broadcast_in_dim3A_1304 : vector<16xi32>, vector<16xi1> -> vector<16xi32>
    %add3A_1306 = vector.broadcast %add3A_1297 : i32 to vector<16xi32>
    %add3A_1307 = arith.addi %add3A_1306, %masked_cumsum3A_1305 : vector<16xi32>
    %sub3A_1308 = arith.constant 1 : i32
    %sub3A_1309 = vector.broadcast %sub3A_1308 : i32 to vector<16xi32>
    %sub3A_1310 = arith.subi %add3A_1307, %sub3A_1309 : vector<16xi32>
    %eq3A_1311 = arith.constant 1 : i32
    %eq3A_1312 = vector.broadcast %eq3A_1311 : i32 to vector<16xi32>
    %eq3A_1313 = arith.cmpi eq, %sub3A_1302, %eq3A_1312 : vector<16xi32>
    %jit3A_1314 = arith.constant -1 : i32
    %broadcast_in_dim3A_1315 = vector.broadcast %jit3A_1314 : i32 to vector<16xi32>
    %select_n3A_1316 = arith.select %eq3A_1313, %sub3A_1310, %broadcast_in_dim3A_1315 : vector<16xi1>, vector<16xi32>
    %swap3A_1317 = arith.constant 848 : index
    %swap3A_1318 = tpu.vector_load %arg5[%swap3A_1317] {strides = array<i32>} : memref<1024xi32, #tpu.memory_space<vmem>>, vector<16xi32>,
    tpu.vector_store %arg5[%swap3A_1317], %select_n3A_1316 {strides = array<i32>} : memref<1024xi32, #tpu.memory_space<vmem>>, vector<16xi32>,
    %slice3A_1319 = vector.extract_strided_slice %masked_cumsum3A_1305 {offsets = [15], sizes = [1], strides = [1]} : vector<16xi32> to vector<1xi32>
    %squeeze3A_1320 = vector.extract %slice3A_1319[0] : i32 from vector<1xi32>
    %add3A_1321 = arith.addi %add3A_1297, %squeeze3A_1320 : i32
    %get3A_1322 = arith.constant 864 : index
    %get3A_1323 = tpu.vector_load %arg4[%get3A_1322] {strides = array<i32>} : memref<1024xi32, #tpu.memory_space<vmem>>, vector<16xi32>,
    %sub3A_1324 = arith.constant 1 : i32
    %sub3A_1325 = vector.broadcast %sub3A_1324 : i32 to vector<16xi32>
    %sub3A_1326 = arith.subi %sub3A_1325, %get3A_1323 : vector<16xi32>
    %broadcast_in_dim3A_1327 = arith.constant true
    %broadcast_in_dim3A_1328 = vector.broadcast %broadcast_in_dim3A_1327 : i1 to vector<16xi1>
    %masked_cumsum3A_1329 = tpu.scan <sum>, %sub3A_1326 masked %broadcast_in_dim3A_1328 : vector<16xi32>, vector<16xi1> -> vector<16xi32>
    %add3A_1330 = vector.broadcast %add3A_1321 : i32 to vector<16xi32>
    %add3A_1331 = arith.addi %add3A_1330, %masked_cumsum3A_1329 : vector<16xi32>
    %sub3A_1332 = arith.constant 1 : i32
    %sub3A_1333 = vector.broadcast %sub3A_1332 : i32 to vector<16xi32>
    %sub3A_1334 = arith.subi %add3A_1331, %sub3A_1333 : vector<16xi32>
    %eq3A_1335 = arith.constant 1 : i32
    %eq3A_1336 = vector.broadcast %eq3A_1335 : i32 to vector<16xi32>
    %eq3A_1337 = arith.cmpi eq, %sub3A_1326, %eq3A_1336 : vector<16xi32>
    %jit3A_1338 = arith.constant -1 : i32
    %broadcast_in_dim3A_1339 = vector.broadcast %jit3A_1338 : i32 to vector<16xi32>
    %select_n3A_1340 = arith.select %eq3A_1337, %sub3A_1334, %broadcast_in_dim3A_1339 : vector<16xi1>, vector<16xi32>
    %swap3A_1341 = arith.constant 864 : index
    %swap3A_1342 = tpu.vector_load %arg5[%swap3A_1341] {strides = array<i32>} : memref<1024xi32, #tpu.memory_space<vmem>>, vector<16xi32>,
    tpu.vector_store %arg5[%swap3A_1341], %select_n3A_1340 {strides = array<i32>} : memref<1024xi32, #tpu.memory_space<vmem>>, vector<16xi32>,
    %slice3A_1343 = vector.extract_strided_slice %masked_cumsum3A_1329 {offsets = [15], sizes = [1], strides = [1]} : vector<16xi32> to vector<1xi32>
    %squeeze3A_1344 = vector.extract %slice3A_1343[0] : i32 from vector<1xi32>
    %add3A_1345 = arith.addi %add3A_1321, %squeeze3A_1344 : i32
    %get3A_1346 = arith.constant 880 : index
    %get3A_1347 = tpu.vector_load %arg4[%get3A_1346] {strides = array<i32>} : memref<1024xi32, #tpu.memory_space<vmem>>, vector<16xi32>,
    %sub3A_1348 = arith.constant 1 : i32
    %sub3A_1349 = vector.broadcast %sub3A_1348 : i32 to vector<16xi32>
    %sub3A_1350 = arith.subi %sub3A_1349, %get3A_1347 : vector<16xi32>
    %broadcast_in_dim3A_1351 = arith.constant true
    %broadcast_in_dim3A_1352 = vector.broadcast %broadcast_in_dim3A_1351 : i1 to vector<16xi1>
    %masked_cumsum3A_1353 = tpu.scan <sum>, %sub3A_1350 masked %broadcast_in_dim3A_1352 : vector<16xi32>, vector<16xi1> -> vector<16xi32>
    %add3A_1354 = vector.broadcast %add3A_1345 : i32 to vector<16xi32>
    %add3A_1355 = arith.addi %add3A_1354, %masked_cumsum3A_1353 : vector<16xi32>
    %sub3A_1356 = arith.constant 1 : i32
    %sub3A_1357 = vector.broadcast %sub3A_1356 : i32 to vector<16xi32>
    %sub3A_1358 = arith.subi %add3A_1355, %sub3A_1357 : vector<16xi32>
    %eq3A_1359 = arith.constant 1 : i32
    %eq3A_1360 = vector.broadcast %eq3A_1359 : i32 to vector<16xi32>
    %eq3A_1361 = arith.cmpi eq, %sub3A_1350, %eq3A_1360 : vector<16xi32>
    %jit3A_1362 = arith.constant -1 : i32
    %broadcast_in_dim3A_1363 = vector.broadcast %jit3A_1362 : i32 to vector<16xi32>
    %select_n3A_1364 = arith.select %eq3A_1361, %sub3A_1358, %broadcast_in_dim3A_1363 : vector<16xi1>, vector<16xi32>
    %swap3A_1365 = arith.constant 880 : index
    %swap3A_1366 = tpu.vector_load %arg5[%swap3A_1365] {strides = array<i32>} : memref<1024xi32, #tpu.memory_space<vmem>>, vector<16xi32>,
    tpu.vector_store %arg5[%swap3A_1365], %select_n3A_1364 {strides = array<i32>} : memref<1024xi32, #tpu.memory_space<vmem>>, vector<16xi32>,
    %slice3A_1367 = vector.extract_strided_slice %masked_cumsum3A_1353 {offsets = [15], sizes = [1], strides = [1]} : vector<16xi32> to vector<1xi32>
    %squeeze3A_1368 = vector.extract %slice3A_1367[0] : i32 from vector<1xi32>
    %add3A_1369 = arith.addi %add3A_1345, %squeeze3A_1368 : i32
    %get3A_1370 = arith.constant 896 : index
    %get3A_1371 = tpu.vector_load %arg4[%get3A_1370] {strides = array<i32>} : memref<1024xi32, #tpu.memory_space<vmem>>, vector<16xi32>,
    %sub3A_1372 = arith.constant 1 : i32
    %sub3A_1373 = vector.broadcast %sub3A_1372 : i32 to vector<16xi32>
    %sub3A_1374 = arith.subi %sub3A_1373, %get3A_1371 : vector<16xi32>
    %broadcast_in_dim3A_1375 = arith.constant true
    %broadcast_in_dim3A_1376 = vector.broadcast %broadcast_in_dim3A_1375 : i1 to vector<16xi1>
    %masked_cumsum3A_1377 = tpu.scan <sum>, %sub3A_1374 masked %broadcast_in_dim3A_1376 : vector<16xi32>, vector<16xi1> -> vector<16xi32>
    %add3A_1378 = vector.broadcast %add3A_1369 : i32 to vector<16xi32>
    %add3A_1379 = arith.addi %add3A_1378, %masked_cumsum3A_1377 : vector<16xi32>
    %sub3A_1380 = arith.constant 1 : i32
    %sub3A_1381 = vector.broadcast %sub3A_1380 : i32 to vector<16xi32>
    %sub3A_1382 = arith.subi %add3A_1379, %sub3A_1381 : vector<16xi32>
    %eq3A_1383 = arith.constant 1 : i32
    %eq3A_1384 = vector.broadcast %eq3A_1383 : i32 to vector<16xi32>
    %eq3A_1385 = arith.cmpi eq, %sub3A_1374, %eq3A_1384 : vector<16xi32>
    %jit3A_1386 = arith.constant -1 : i32
    %broadcast_in_dim3A_1387 = vector.broadcast %jit3A_1386 : i32 to vector<16xi32>
    %select_n3A_1388 = arith.select %eq3A_1385, %sub3A_1382, %broadcast_in_dim3A_1387 : vector<16xi1>, vector<16xi32>
    %swap3A_1389 = arith.constant 896 : index
    %swap3A_1390 = tpu.vector_load %arg5[%swap3A_1389] {strides = array<i32>} : memref<1024xi32, #tpu.memory_space<vmem>>, vector<16xi32>,
    tpu.vector_store %arg5[%swap3A_1389], %select_n3A_1388 {strides = array<i32>} : memref<1024xi32, #tpu.memory_space<vmem>>, vector<16xi32>,
    %slice3A_1391 = vector.extract_strided_slice %masked_cumsum3A_1377 {offsets = [15], sizes = [1], strides = [1]} : vector<16xi32> to vector<1xi32>
    %squeeze3A_1392 = vector.extract %slice3A_1391[0] : i32 from vector<1xi32>
    %add3A_1393 = arith.addi %add3A_1369, %squeeze3A_1392 : i32
    %get3A_1394 = arith.constant 912 : index
    %get3A_1395 = tpu.vector_load %arg4[%get3A_1394] {strides = array<i32>} : memref<1024xi32, #tpu.memory_space<vmem>>, vector<16xi32>,
    %sub3A_1396 = arith.constant 1 : i32
    %sub3A_1397 = vector.broadcast %sub3A_1396 : i32 to vector<16xi32>
    %sub3A_1398 = arith.subi %sub3A_1397, %get3A_1395 : vector<16xi32>
    %broadcast_in_dim3A_1399 = arith.constant true
    %broadcast_in_dim3A_1400 = vector.broadcast %broadcast_in_dim3A_1399 : i1 to vector<16xi1>
    %masked_cumsum3A_1401 = tpu.scan <sum>, %sub3A_1398 masked %broadcast_in_dim3A_1400 : vector<16xi32>, vector<16xi1> -> vector<16xi32>
    %add3A_1402 = vector.broadcast %add3A_1393 : i32 to vector<16xi32>
    %add3A_1403 = arith.addi %add3A_1402, %masked_cumsum3A_1401 : vector<16xi32>
    %sub3A_1404 = arith.constant 1 : i32
    %sub3A_1405 = vector.broadcast %sub3A_1404 : i32 to vector<16xi32>
    %sub3A_1406 = arith.subi %add3A_1403, %sub3A_1405 : vector<16xi32>
    %eq3A_1407 = arith.constant 1 : i32
    %eq3A_1408 = vector.broadcast %eq3A_1407 : i32 to vector<16xi32>
    %eq3A_1409 = arith.cmpi eq, %sub3A_1398, %eq3A_1408 : vector<16xi32>
    %jit3A_1410 = arith.constant -1 : i32
    %broadcast_in_dim3A_1411 = vector.broadcast %jit3A_1410 : i32 to vector<16xi32>
    %select_n3A_1412 = arith.select %eq3A_1409, %sub3A_1406, %broadcast_in_dim3A_1411 : vector<16xi1>, vector<16xi32>
    %swap3A_1413 = arith.constant 912 : index
    %swap3A_1414 = tpu.vector_load %arg5[%swap3A_1413] {strides = array<i32>} : memref<1024xi32, #tpu.memory_space<vmem>>, vector<16xi32>,
    tpu.vector_store %arg5[%swap3A_1413], %select_n3A_1412 {strides = array<i32>} : memref<1024xi32, #tpu.memory_space<vmem>>, vector<16xi32>,
    %slice3A_1415 = vector.extract_strided_slice %masked_cumsum3A_1401 {offsets = [15], sizes = [1], strides = [1]} : vector<16xi32> to vector<1xi32>
    %squeeze3A_1416 = vector.extract %slice3A_1415[0] : i32 from vector<1xi32>
    %add3A_1417 = arith.addi %add3A_1393, %squeeze3A_1416 : i32
    %get3A_1418 = arith.constant 928 : index
    %get3A_1419 = tpu.vector_load %arg4[%get3A_1418] {strides = array<i32>} : memref<1024xi32, #tpu.memory_space<vmem>>, vector<16xi32>,
    %sub3A_1420 = arith.constant 1 : i32
    %sub3A_1421 = vector.broadcast %sub3A_1420 : i32 to vector<16xi32>
    %sub3A_1422 = arith.subi %sub3A_1421, %get3A_1419 : vector<16xi32>
    %broadcast_in_dim3A_1423 = arith.constant true
    %broadcast_in_dim3A_1424 = vector.broadcast %broadcast_in_dim3A_1423 : i1 to vector<16xi1>
    %masked_cumsum3A_1425 = tpu.scan <sum>, %sub3A_1422 masked %broadcast_in_dim3A_1424 : vector<16xi32>, vector<16xi1> -> vector<16xi32>
    %add3A_1426 = vector.broadcast %add3A_1417 : i32 to vector<16xi32>
    %add3A_1427 = arith.addi %add3A_1426, %masked_cumsum3A_1425 : vector<16xi32>
    %sub3A_1428 = arith.constant 1 : i32
    %sub3A_1429 = vector.broadcast %sub3A_1428 : i32 to vector<16xi32>
    %sub3A_1430 = arith.subi %add3A_1427, %sub3A_1429 : vector<16xi32>
    %eq3A_1431 = arith.constant 1 : i32
    %eq3A_1432 = vector.broadcast %eq3A_1431 : i32 to vector<16xi32>
    %eq3A_1433 = arith.cmpi eq, %sub3A_1422, %eq3A_1432 : vector<16xi32>
    %jit3A_1434 = arith.constant -1 : i32
    %broadcast_in_dim3A_1435 = vector.broadcast %jit3A_1434 : i32 to vector<16xi32>
    %select_n3A_1436 = arith.select %eq3A_1433, %sub3A_1430, %broadcast_in_dim3A_1435 : vector<16xi1>, vector<16xi32>
    %swap3A_1437 = arith.constant 928 : index
    %swap3A_1438 = tpu.vector_load %arg5[%swap3A_1437] {strides = array<i32>} : memref<1024xi32, #tpu.memory_space<vmem>>, vector<16xi32>,
    tpu.vector_store %arg5[%swap3A_1437], %select_n3A_1436 {strides = array<i32>} : memref<1024xi32, #tpu.memory_space<vmem>>, vector<16xi32>,
    %slice3A_1439 = vector.extract_strided_slice %masked_cumsum3A_1425 {offsets = [15], sizes = [1], strides = [1]} : vector<16xi32> to vector<1xi32>
    %squeeze3A_1440 = vector.extract %slice3A_1439[0] : i32 from vector<1xi32>
    %add3A_1441 = arith.addi %add3A_1417, %squeeze3A_1440 : i32
    %get3A_1442 = arith.constant 944 : index
    %get3A_1443 = tpu.vector_load %arg4[%get3A_1442] {strides = array<i32>} : memref<1024xi32, #tpu.memory_space<vmem>>, vector<16xi32>,
    %sub3A_1444 = arith.constant 1 : i32
    %sub3A_1445 = vector.broadcast %sub3A_1444 : i32 to vector<16xi32>
    %sub3A_1446 = arith.subi %sub3A_1445, %get3A_1443 : vector<16xi32>
    %broadcast_in_dim3A_1447 = arith.constant true
    %broadcast_in_dim3A_1448 = vector.broadcast %broadcast_in_dim3A_1447 : i1 to vector<16xi1>
    %masked_cumsum3A_1449 = tpu.scan <sum>, %sub3A_1446 masked %broadcast_in_dim3A_1448 : vector<16xi32>, vector<16xi1> -> vector<16xi32>
    %add3A_1450 = vector.broadcast %add3A_1441 : i32 to vector<16xi32>
    %add3A_1451 = arith.addi %add3A_1450, %masked_cumsum3A_1449 : vector<16xi32>
    %sub3A_1452 = arith.constant 1 : i32
    %sub3A_1453 = vector.broadcast %sub3A_1452 : i32 to vector<16xi32>
    %sub3A_1454 = arith.subi %add3A_1451, %sub3A_1453 : vector<16xi32>
    %eq3A_1455 = arith.constant 1 : i32
    %eq3A_1456 = vector.broadcast %eq3A_1455 : i32 to vector<16xi32>
    %eq3A_1457 = arith.cmpi eq, %sub3A_1446, %eq3A_1456 : vector<16xi32>
    %jit3A_1458 = arith.constant -1 : i32
    %broadcast_in_dim3A_1459 = vector.broadcast %jit3A_1458 : i32 to vector<16xi32>
    %select_n3A_1460 = arith.select %eq3A_1457, %sub3A_1454, %broadcast_in_dim3A_1459 : vector<16xi1>, vector<16xi32>
    %swap3A_1461 = arith.constant 944 : index
    %swap3A_1462 = tpu.vector_load %arg5[%swap3A_1461] {strides = array<i32>} : memref<1024xi32, #tpu.memory_space<vmem>>, vector<16xi32>,
    tpu.vector_store %arg5[%swap3A_1461], %select_n3A_1460 {strides = array<i32>} : memref<1024xi32, #tpu.memory_space<vmem>>, vector<16xi32>,
    %slice3A_1463 = vector.extract_strided_slice %masked_cumsum3A_1449 {offsets = [15], sizes = [1], strides = [1]} : vector<16xi32> to vector<1xi32>
    %squeeze3A_1464 = vector.extract %slice3A_1463[0] : i32 from vector<1xi32>
    %add3A_1465 = arith.addi %add3A_1441, %squeeze3A_1464 : i32
    %get3A_1466 = arith.constant 960 : index
    %get3A_1467 = tpu.vector_load %arg4[%get3A_1466] {strides = array<i32>} : memref<1024xi32, #tpu.memory_space<vmem>>, vector<16xi32>,
    %sub3A_1468 = arith.constant 1 : i32
    %sub3A_1469 = vector.broadcast %sub3A_1468 : i32 to vector<16xi32>
    %sub3A_1470 = arith.subi %sub3A_1469, %get3A_1467 : vector<16xi32>
    %broadcast_in_dim3A_1471 = arith.constant true
    %broadcast_in_dim3A_1472 = vector.broadcast %broadcast_in_dim3A_1471 : i1 to vector<16xi1>
    %masked_cumsum3A_1473 = tpu.scan <sum>, %sub3A_1470 masked %broadcast_in_dim3A_1472 : vector<16xi32>, vector<16xi1> -> vector<16xi32>
    %add3A_1474 = vector.broadcast %add3A_1465 : i32 to vector<16xi32>
    %add3A_1475 = arith.addi %add3A_1474, %masked_cumsum3A_1473 : vector<16xi32>
    %sub3A_1476 = arith.constant 1 : i32
    %sub3A_1477 = vector.broadcast %sub3A_1476 : i32 to vector<16xi32>
    %sub3A_1478 = arith.subi %add3A_1475, %sub3A_1477 : vector<16xi32>
    %eq3A_1479 = arith.constant 1 : i32
    %eq3A_1480 = vector.broadcast %eq3A_1479 : i32 to vector<16xi32>
    %eq3A_1481 = arith.cmpi eq, %sub3A_1470, %eq3A_1480 : vector<16xi32>
    %jit3A_1482 = arith.constant -1 : i32
    %broadcast_in_dim3A_1483 = vector.broadcast %jit3A_1482 : i32 to vector<16xi32>
    %select_n3A_1484 = arith.select %eq3A_1481, %sub3A_1478, %broadcast_in_dim3A_1483 : vector<16xi1>, vector<16xi32>
    %swap3A_1485 = arith.constant 960 : index
    %swap3A_1486 = tpu.vector_load %arg5[%swap3A_1485] {strides = array<i32>} : memref<1024xi32, #tpu.memory_space<vmem>>, vector<16xi32>,
    tpu.vector_store %arg5[%swap3A_1485], %select_n3A_1484 {strides = array<i32>} : memref<1024xi32, #tpu.memory_space<vmem>>, vector<16xi32>,
    %slice3A_1487 = vector.extract_strided_slice %masked_cumsum3A_1473 {offsets = [15], sizes = [1], strides = [1]} : vector<16xi32> to vector<1xi32>
    %squeeze3A_1488 = vector.extract %slice3A_1487[0] : i32 from vector<1xi32>
    %add3A_1489 = arith.addi %add3A_1465, %squeeze3A_1488 : i32
    %get3A_1490 = arith.constant 976 : index
    %get3A_1491 = tpu.vector_load %arg4[%get3A_1490] {strides = array<i32>} : memref<1024xi32, #tpu.memory_space<vmem>>, vector<16xi32>,
    %sub3A_1492 = arith.constant 1 : i32
    %sub3A_1493 = vector.broadcast %sub3A_1492 : i32 to vector<16xi32>
    %sub3A_1494 = arith.subi %sub3A_1493, %get3A_1491 : vector<16xi32>
    %broadcast_in_dim3A_1495 = arith.constant true
    %broadcast_in_dim3A_1496 = vector.broadcast %broadcast_in_dim3A_1495 : i1 to vector<16xi1>
    %masked_cumsum3A_1497 = tpu.scan <sum>, %sub3A_1494 masked %broadcast_in_dim3A_1496 : vector<16xi32>, vector<16xi1> -> vector<16xi32>
    %add3A_1498 = vector.broadcast %add3A_1489 : i32 to vector<16xi32>
    %add3A_1499 = arith.addi %add3A_1498, %masked_cumsum3A_1497 : vector<16xi32>
    %sub3A_1500 = arith.constant 1 : i32
    %sub3A_1501 = vector.broadcast %sub3A_1500 : i32 to vector<16xi32>
    %sub3A_1502 = arith.subi %add3A_1499, %sub3A_1501 : vector<16xi32>
    %eq3A_1503 = arith.constant 1 : i32
    %eq3A_1504 = vector.broadcast %eq3A_1503 : i32 to vector<16xi32>
    %eq3A_1505 = arith.cmpi eq, %sub3A_1494, %eq3A_1504 : vector<16xi32>
    %jit3A_1506 = arith.constant -1 : i32
    %broadcast_in_dim3A_1507 = vector.broadcast %jit3A_1506 : i32 to vector<16xi32>
    %select_n3A_1508 = arith.select %eq3A_1505, %sub3A_1502, %broadcast_in_dim3A_1507 : vector<16xi1>, vector<16xi32>
    %swap3A_1509 = arith.constant 976 : index
    %swap3A_1510 = tpu.vector_load %arg5[%swap3A_1509] {strides = array<i32>} : memref<1024xi32, #tpu.memory_space<vmem>>, vector<16xi32>,
    tpu.vector_store %arg5[%swap3A_1509], %select_n3A_1508 {strides = array<i32>} : memref<1024xi32, #tpu.memory_space<vmem>>, vector<16xi32>,
    %slice3A_1511 = vector.extract_strided_slice %masked_cumsum3A_1497 {offsets = [15], sizes = [1], strides = [1]} : vector<16xi32> to vector<1xi32>
    %squeeze3A_1512 = vector.extract %slice3A_1511[0] : i32 from vector<1xi32>
    %add3A_1513 = arith.addi %add3A_1489, %squeeze3A_1512 : i32
    %get3A_1514 = arith.constant 992 : index
    %get3A_1515 = tpu.vector_load %arg4[%get3A_1514] {strides = array<i32>} : memref<1024xi32, #tpu.memory_space<vmem>>, vector<16xi32>,
    %sub3A_1516 = arith.constant 1 : i32
    %sub3A_1517 = vector.broadcast %sub3A_1516 : i32 to vector<16xi32>
    %sub3A_1518 = arith.subi %sub3A_1517, %get3A_1515 : vector<16xi32>
    %broadcast_in_dim3A_1519 = arith.constant true
    %broadcast_in_dim3A_1520 = vector.broadcast %broadcast_in_dim3A_1519 : i1 to vector<16xi1>
    %masked_cumsum3A_1521 = tpu.scan <sum>, %sub3A_1518 masked %broadcast_in_dim3A_1520 : vector<16xi32>, vector<16xi1> -> vector<16xi32>
    %add3A_1522 = vector.broadcast %add3A_1513 : i32 to vector<16xi32>
    %add3A_1523 = arith.addi %add3A_1522, %masked_cumsum3A_1521 : vector<16xi32>
    %sub3A_1524 = arith.constant 1 : i32
    %sub3A_1525 = vector.broadcast %sub3A_1524 : i32 to vector<16xi32>
    %sub3A_1526 = arith.subi %add3A_1523, %sub3A_1525 : vector<16xi32>
    %eq3A_1527 = arith.constant 1 : i32
    %eq3A_1528 = vector.broadcast %eq3A_1527 : i32 to vector<16xi32>
    %eq3A_1529 = arith.cmpi eq, %sub3A_1518, %eq3A_1528 : vector<16xi32>
    %jit3A_1530 = arith.constant -1 : i32
    %broadcast_in_dim3A_1531 = vector.broadcast %jit3A_1530 : i32 to vector<16xi32>
    %select_n3A_1532 = arith.select %eq3A_1529, %sub3A_1526, %broadcast_in_dim3A_1531 : vector<16xi1>, vector<16xi32>
    %swap3A_1533 = arith.constant 992 : index
    %swap3A_1534 = tpu.vector_load %arg5[%swap3A_1533] {strides = array<i32>} : memref<1024xi32, #tpu.memory_space<vmem>>, vector<16xi32>,
    tpu.vector_store %arg5[%swap3A_1533], %select_n3A_1532 {strides = array<i32>} : memref<1024xi32, #tpu.memory_space<vmem>>, vector<16xi32>,
    %slice3A_1535 = vector.extract_strided_slice %masked_cumsum3A_1521 {offsets = [15], sizes = [1], strides = [1]} : vector<16xi32> to vector<1xi32>
    %squeeze3A_1536 = vector.extract %slice3A_1535[0] : i32 from vector<1xi32>
    %add3A_1537 = arith.addi %add3A_1513, %squeeze3A_1536 : i32
    %get3A_1538 = arith.constant 1008 : index
    %get3A_1539 = tpu.vector_load %arg4[%get3A_1538] {strides = array<i32>} : memref<1024xi32, #tpu.memory_space<vmem>>, vector<16xi32>,
    %sub3A_1540 = arith.constant 1 : i32
    %sub3A_1541 = vector.broadcast %sub3A_1540 : i32 to vector<16xi32>
    %sub3A_1542 = arith.subi %sub3A_1541, %get3A_1539 : vector<16xi32>
    %broadcast_in_dim3A_1543 = arith.constant true
    %broadcast_in_dim3A_1544 = vector.broadcast %broadcast_in_dim3A_1543 : i1 to vector<16xi1>
    %masked_cumsum3A_1545 = tpu.scan <sum>, %sub3A_1542 masked %broadcast_in_dim3A_1544 : vector<16xi32>, vector<16xi1> -> vector<16xi32>
    %add3A_1546 = vector.broadcast %add3A_1537 : i32 to vector<16xi32>
    %add3A_1547 = arith.addi %add3A_1546, %masked_cumsum3A_1545 : vector<16xi32>
    %sub3A_1548 = arith.constant 1 : i32
    %sub3A_1549 = vector.broadcast %sub3A_1548 : i32 to vector<16xi32>
    %sub3A_1550 = arith.subi %add3A_1547, %sub3A_1549 : vector<16xi32>
    %eq3A_1551 = arith.constant 1 : i32
    %eq3A_1552 = vector.broadcast %eq3A_1551 : i32 to vector<16xi32>
    %eq3A_1553 = arith.cmpi eq, %sub3A_1542, %eq3A_1552 : vector<16xi32>
    %jit3A_1554 = arith.constant -1 : i32
    %broadcast_in_dim3A_1555 = vector.broadcast %jit3A_1554 : i32 to vector<16xi32>
    %select_n3A_1556 = arith.select %eq3A_1553, %sub3A_1550, %broadcast_in_dim3A_1555 : vector<16xi1>, vector<16xi32>
    %swap3A_1557 = arith.constant 1008 : index
    %swap3A_1558 = tpu.vector_load %arg5[%swap3A_1557] {strides = array<i32>} : memref<1024xi32, #tpu.memory_space<vmem>>, vector<16xi32>,
    tpu.vector_store %arg5[%swap3A_1557], %select_n3A_1556 {strides = array<i32>} : memref<1024xi32, #tpu.memory_space<vmem>>, vector<16xi32>,
    %slice3A_1559 = vector.extract_strided_slice %masked_cumsum3A_1545 {offsets = [15], sizes = [1], strides = [1]} : vector<16xi32> to vector<1xi32>
    %squeeze3A_1560 = vector.extract %slice3A_1559[0] : i32 from vector<1xi32>
    %add3A_1561 = arith.addi %add3A_1537, %squeeze3A_1560 : i32
    "tpu.region"() ({
      %run_scoped3A = tpu.sem_alloc : memref<!tpu.dma_semaphore, #tpu.memory_space<semaphore_mem>>
      %dma_start3A = tpu.memref_slice %arg3[%select_n3A, %mul3A_29] : memref<8x2048xi32, #tpu.memory_space<hbm>> -> memref<1x1024xi32, #tpu.memory_space<hbm>>
      %dma_start3A_1562 = tpu.memref_squeeze %dma_start3A : memref<1x1024xi32, #tpu.memory_space<hbm>> -> memref<1024xi32, #tpu.memory_space<hbm>>
      %dma_start3A_1563 = tpu.memref_slice %arg3[%select_n3A, %mul3A_29] : memref<8x2048xi32, #tpu.memory_space<hbm>> -> memref<1x1024xi32, #tpu.memory_space<hbm>>
      %dma_start3A_1564 = tpu.memref_squeeze %dma_start3A_1563 : memref<1x1024xi32, #tpu.memory_space<hbm>> -> memref<1024xi32, #tpu.memory_space<hbm>>
      tpu.enqueue_dma source(%arg5 : memref<1024xi32, #tpu.memory_space<vmem>>) target(%dma_start3A_1564 : memref<1024xi32, #tpu.memory_space<hbm>>) target_semaphore(%run_scoped3A : memref<!tpu.dma_semaphore, #tpu.memory_space<semaphore_mem>>)
      %dma_wait3A = tpu.memref_slice %arg3[%select_n3A, %mul3A_29] : memref<8x2048xi32, #tpu.memory_space<hbm>> -> memref<1x1024xi32, #tpu.memory_space<hbm>>
      %dma_wait3A_1565 = tpu.memref_squeeze %dma_wait3A : memref<1x1024xi32, #tpu.memory_space<hbm>> -> memref<1024xi32, #tpu.memory_space<hbm>>
      %dma_wait3A_1566 = tpu.memref_slice %arg3[%select_n3A, %mul3A_29] : memref<8x2048xi32, #tpu.memory_space<hbm>> -> memref<1x1024xi32, #tpu.memory_space<hbm>>
      %dma_wait3A_1567 = tpu.memref_squeeze %dma_wait3A_1566 : memref<1x1024xi32, #tpu.memory_space<hbm>> -> memref<1024xi32, #tpu.memory_space<hbm>>
      tpu.wait_dma2 semaphore(%run_scoped3A : memref<!tpu.dma_semaphore, #tpu.memory_space<semaphore_mem>>) src(%arg5 : memref<1024xi32, #tpu.memory_space<vmem>>) dst(%dma_wait3A_1567 : memref<1024xi32, #tpu.memory_space<hbm>>)
      tpu.yield
    }) : () -> ()
    return
  }
}

module attributes {stable_mosaic.version = 14 : i64} {
  func.func @_tc_body(%arg0: i32, %arg1: memref<1x2048x512xf32, #tpu.memory_space<vmem>>, %arg2: memref<1x1x2048xi32, #tpu.memory_space<vmem>>, %arg3: memref<64x512xf32, #tpu.memory_space<vmem>>, %arg4: memref<512x512xf32, #tpu.memory_space<vmem>>, %arg5: memref<512x512xf32, #tpu.memory_space<vmem>>, %arg6: memref<512x512xf32, #tpu.memory_space<vmem>>, %arg7: memref<512x512xf32, #tpu.memory_space<vmem>>, %arg8: memref<1x512xf32, #tpu.memory_space<vmem>>, %arg9: memref<1x64x512xf32, #tpu.memory_space<vmem>>, %arg10: memref<64x512xf32, #tpu.memory_space<vmem>>, %arg11: memref<512x512xf32, #tpu.memory_space<vmem>>, %arg12: memref<64x512xf32, #tpu.memory_space<vmem>>) attributes {dimension_semantics = [#tpu.dimension_semantics<arbitrary>], iteration_bounds = array<i64: 8>, scalar_prefetch = 0 : i64, scratch_operands = 3 : i64, tpu.core_type = #tpu.core_type<tc>, window_params = [{transform_indices = @transform_0, window_bounds = array<i64: 1, 2048, 512>}, {transform_indices = @transform_1, window_bounds = array<i64: 1, 1, 2048>}, {pipeline_mode = #tpu.pipeline_mode<synchronous>, transform_indices = @transform_2, window_bounds = array<i64: 64, 512>}, {pipeline_mode = #tpu.pipeline_mode<synchronous>, transform_indices = @transform_3, window_bounds = array<i64: 512, 512>}, {pipeline_mode = #tpu.pipeline_mode<synchronous>, transform_indices = @transform_4, window_bounds = array<i64: 512, 512>}, {pipeline_mode = #tpu.pipeline_mode<synchronous>, transform_indices = @transform_5, window_bounds = array<i64: 512, 512>}, {pipeline_mode = #tpu.pipeline_mode<synchronous>, transform_indices = @transform_6, window_bounds = array<i64: 512, 512>}, {pipeline_mode = #tpu.pipeline_mode<synchronous>, transform_indices = @transform_7, window_bounds = array<i64: 1, 512>}, {transform_indices = @transform_8, window_bounds = array<i64: 1, 64, 512>}]} {
    %eq3A = arith.constant 0 : i32
    %eq3A_0 = arith.cmpi eq, %arg0, %eq3A : i32
    %convert_element_type3A = arith.extui %eq3A_0 : i1 to i32
    %cond3A = arith.constant 0 : i32
    %cond3A_1 = arith.cmpi ne, %convert_element_type3A, %cond3A : i32
    scf.if %cond3A_1 {
      %get3A_152 = arith.constant 0 : index
      %get3A_153 = arith.constant 0 : index
      %get3A_154 = vector.load %arg3[%get3A_152, %get3A_153] : memref<64x512xf32, #tpu.memory_space<vmem>>, vector<64x512xf32>
      %get3A_155 = arith.constant 0 : index
      %get3A_156 = arith.constant 0 : index
      %get3A_157 = vector.load %arg4[%get3A_155, %get3A_156] : memref<512x512xf32, #tpu.memory_space<vmem>>, vector<512x512xf32>
      %dot_general3A_158 = arith.constant dense<0.000000e+00> : vector<64x512xf32>
      %dot_general3A_159 = tpu.matmul %get3A_154, %get3A_157, %dot_general3A_158 {dimension_numbers = #tpu.dot_dimension_numbers<[1], [1], [0], [0], [0, 0, 1, 0], [], []>, transpose_lhs_hint = false} : vector<64x512xf32>, vector<512x512xf32>, vector<64x512xf32> -> vector<64x512xf32>
      %get3A_160 = arith.constant 0 : index
      %get3A_161 = arith.constant 0 : index
      %get3A_162 = vector.load %arg5[%get3A_160, %get3A_161] : memref<512x512xf32, #tpu.memory_space<vmem>>, vector<512x512xf32>
      %dot_general3A_163 = arith.constant dense<0.000000e+00> : vector<64x512xf32>
      %dot_general3A_164 = tpu.matmul %dot_general3A_159, %get3A_162, %dot_general3A_163 {dimension_numbers = #tpu.dot_dimension_numbers<[1], [0], [0], [1], [0, 0, 1, 1], [], []>, transpose_lhs_hint = false} : vector<64x512xf32>, vector<512x512xf32>, vector<64x512xf32> -> vector<64x512xf32>
      %swap3A_165 = arith.constant 0 : index
      %swap3A_166 = arith.constant 0 : index
      %swap3A_167 = vector.load %arg10[%swap3A_165, %swap3A_166] : memref<64x512xf32, #tpu.memory_space<vmem>>, vector<64x512xf32>
      tpu.vector_store %arg10[%swap3A_165, %swap3A_166], %dot_general3A_164 {strides = array<i32>} : memref<64x512xf32, #tpu.memory_space<vmem>>, vector<64x512xf32>,
      %get3A_168 = arith.constant 0 : index
      %get3A_169 = arith.constant 0 : index
      %get3A_170 = vector.load %arg7[%get3A_168, %get3A_169] : memref<512x512xf32, #tpu.memory_space<vmem>>, vector<512x512xf32>
      %get3A_171 = arith.constant 0 : index
      %get3A_172 = arith.constant 0 : index
      %get3A_173 = vector.load %arg6[%get3A_171, %get3A_172] : memref<512x512xf32, #tpu.memory_space<vmem>>, vector<512x512xf32>
      %dot_general3A_174 = arith.constant dense<0.000000e+00> : vector<512x512xf32>
      %dot_general3A_175 = tpu.matmul %get3A_170, %get3A_173, %dot_general3A_174 {dimension_numbers = #tpu.dot_dimension_numbers<[1], [0], [0], [1], [0, 0, 1, 1], [], []>, transpose_lhs_hint = false} : vector<512x512xf32>, vector<512x512xf32>, vector<512x512xf32> -> vector<512x512xf32>
      %swap3A_176 = arith.constant 0 : index
      %swap3A_177 = arith.constant 0 : index
      %swap3A_178 = vector.load %arg11[%swap3A_176, %swap3A_177] : memref<512x512xf32, #tpu.memory_space<vmem>>, vector<512x512xf32>
      tpu.vector_store %arg11[%swap3A_176, %swap3A_177], %dot_general3A_175 {strides = array<i32>} : memref<512x512xf32, #tpu.memory_space<vmem>>, vector<512x512xf32>,
      %get3A_179 = arith.constant 0 : index
      %get3A_180 = arith.constant 0 : index
      %get3A_181 = vector.load %arg7[%get3A_179, %get3A_180] : memref<512x512xf32, #tpu.memory_space<vmem>>, vector<512x512xf32>
      %dot_general3A_182 = arith.constant dense<0.000000e+00> : vector<64x512xf32>
      %dot_general3A_183 = tpu.matmul %get3A_154, %get3A_181, %dot_general3A_182 {dimension_numbers = #tpu.dot_dimension_numbers<[1], [1], [0], [0], [0, 0, 1, 0], [], []>, transpose_lhs_hint = false} : vector<64x512xf32>, vector<512x512xf32>, vector<64x512xf32> -> vector<64x512xf32>
      %get3A_184 = arith.constant 0 : index
      %get3A_185 = arith.constant 0 : index
      %get3A_186 = vector.load %arg8[%get3A_184, %get3A_185] : memref<1x512xf32, #tpu.memory_space<vmem>>, vector<1x512xf32>
      %add3A_187 = vector.broadcast %get3A_186 : vector<1x512xf32> to vector<64x512xf32>
      %add3A_188 = arith.addf %dot_general3A_183, %add3A_187 : vector<64x512xf32>
      %swap3A_189 = arith.constant 0 : index
      %swap3A_190 = arith.constant 0 : index
      %swap3A_191 = vector.load %arg12[%swap3A_189, %swap3A_190] : memref<64x512xf32, #tpu.memory_space<vmem>>, vector<64x512xf32>
      tpu.vector_store %arg12[%swap3A_189, %swap3A_190], %add3A_188 {strides = array<i32>} : memref<64x512xf32, #tpu.memory_space<vmem>>, vector<64x512xf32>,
    } else {
    }
    %get3A = arith.constant 0 : index
    %get3A_2 = arith.constant 0 : index
    %get3A_3 = arith.constant 0 : index
    %get3A_4 = vector.load %arg1[%get3A, %get3A_2, %get3A_3] : memref<1x2048x512xf32, #tpu.memory_space<vmem>>, vector<1x2048x512xf32>
    %get3A_5 = vector.shape_cast %get3A_4 : vector<1x2048x512xf32> to vector<2048x512xf32>
    %reduce_sum3A = arith.constant dense<0.000000e+00> : vector<2048xf32>
    %reduce_sum3A_6 = vector.multi_reduction <add>, %get3A_5, %reduce_sum3A [1] : vector<2048x512xf32> to vector<2048xf32>
    %broadcast_in_dim3A = vector.shape_cast %reduce_sum3A_6 : vector<2048xf32> to vector<2048x1xf32>
    %div3A = arith.constant 5.120000e+02 : f32
    %div3A_7 = vector.broadcast %div3A : f32 to vector<2048x1xf32>
    %div3A_8 = arith.divf %broadcast_in_dim3A, %div3A_7 : vector<2048x1xf32>
    %mul3A = arith.mulf %get3A_5, %get3A_5 : vector<2048x512xf32>
    %reduce_sum3A_9 = arith.constant dense<0.000000e+00> : vector<2048xf32>
    %reduce_sum3A_10 = vector.multi_reduction <add>, %mul3A, %reduce_sum3A_9 [1] : vector<2048x512xf32> to vector<2048xf32>
    %broadcast_in_dim3A_11 = vector.shape_cast %reduce_sum3A_10 : vector<2048xf32> to vector<2048x1xf32>
    %div3A_12 = arith.constant 5.120000e+02 : f32
    %div3A_13 = vector.broadcast %div3A_12 : f32 to vector<2048x1xf32>
    %div3A_14 = arith.divf %broadcast_in_dim3A_11, %div3A_13 : vector<2048x1xf32>
    %mul3A_15 = arith.mulf %div3A_8, %div3A_8 : vector<2048x1xf32>
    %sub3A = arith.subf %div3A_14, %mul3A_15 : vector<2048x1xf32>
    %add3A = arith.constant 9.99999974E-6 : f32
    %add3A_16 = vector.broadcast %add3A : f32 to vector<2048x1xf32>
    %add3A_17 = arith.addf %sub3A, %add3A_16 : vector<2048x1xf32>
    %rsqrt3A = math.rsqrt %add3A_17 : vector<2048x1xf32>
    %reshape3A = vector.shape_cast %div3A_8 : vector<2048x1xf32> to vector<1x2048xf32>
    %reshape3A_18 = vector.shape_cast %rsqrt3A : vector<2048x1xf32> to vector<1x2048xf32>
    %get3A_19 = arith.constant 0 : index
    %get3A_20 = arith.constant 0 : index
    %get3A_21 = arith.constant 0 : index
    %get3A_22 = vector.load %arg2[%get3A_19, %get3A_20, %get3A_21] : memref<1x1x2048xi32, #tpu.memory_space<vmem>>, vector<1x1x2048xi32>
    %get3A_23 = vector.shape_cast %get3A_22 : vector<1x1x2048xi32> to vector<1x2048xi32>
    %slice3A = vector.extract_strided_slice %get3A_23 {offsets = [0, 0], sizes = [1, 1024], strides = [1, 1]} : vector<1x2048xi32> to vector<1x1024xi32>
    %slice3A_24 = vector.extract_strided_slice %get3A_23 {offsets = [0, 1024], sizes = [1, 1024], strides = [1, 1]} : vector<1x2048xi32> to vector<1x1024xi32>
    %reduce_max3A = arith.constant dense<-2147483648> : vector<1xi32>
    %reduce_max3A_25 = vector.multi_reduction <maxsi>, %slice3A, %reduce_max3A [1] : vector<1x1024xi32> to vector<1xi32>
    %broadcast_in_dim3A_26 = vector.shape_cast %reduce_max3A_25 : vector<1xi32> to vector<1x1xi32>
    %add3A_27 = arith.constant 1 : i32
    %add3A_28 = vector.broadcast %add3A_27 : i32 to vector<1x1xi32>
    %add3A_29 = arith.addi %broadcast_in_dim3A_26, %add3A_28 : vector<1x1xi32>
    %reduce_max3A_30 = arith.constant dense<-2147483648> : vector<1xi32>
    %reduce_max3A_31 = vector.multi_reduction <maxsi>, %slice3A_24, %reduce_max3A_30 [1] : vector<1x1024xi32> to vector<1xi32>
    %broadcast_in_dim3A_32 = vector.shape_cast %reduce_max3A_31 : vector<1xi32> to vector<1x1xi32>
    %add3A_33 = arith.constant 1 : i32
    %add3A_34 = vector.broadcast %add3A_33 : i32 to vector<1x1xi32>
    %add3A_35 = arith.addi %broadcast_in_dim3A_32, %add3A_34 : vector<1x1xi32>
    %ge3A = arith.constant 0 : i32
    %ge3A_36 = vector.broadcast %ge3A : i32 to vector<1x1024xi32>
    %ge3A_37 = arith.cmpi sge, %slice3A_24, %ge3A_36 : vector<1x1024xi32>
    %add3A_38 = vector.broadcast %add3A_29 : vector<1x1xi32> to vector<1x1024xi32>
    %add3A_39 = arith.addi %slice3A_24, %add3A_38 : vector<1x1024xi32>
    %jit3A = arith.constant -1 : i32
    %broadcast_in_dim3A_40 = vector.broadcast %jit3A : i32 to vector<1x1024xi32>
    %select_n3A = arith.select %ge3A_37, %add3A_39, %broadcast_in_dim3A_40 : vector<1x1024xi1>, vector<1x1024xi32>
    %concatenate3A = tpu.concatenate %slice3A, %select_n3A in 1 : vector<1x1024xi32>, vector<1x1024xi32> -> vector<1x2048xi32>
    %add3A_41 = arith.addi %add3A_29, %add3A_35 : vector<1x1xi32>
    %squeeze3A = vector.extract %add3A_41[0, 0] : i32 from vector<1x1xi32>
    %jit3A_42 = arith.constant 64 : i32
    %div3A_43 = arith.divsi %squeeze3A, %jit3A_42 : i32
    %sign3A = arith.constant 0 : i32
    %sign3A_44 = arith.cmpi sgt, %squeeze3A, %sign3A : i32
    %sign3A_45 = arith.extui %sign3A_44 : i1 to i32
    %sign3A_46 = arith.constant 0 : i32
    %sign3A_47 = arith.cmpi slt, %squeeze3A, %sign3A_46 : i32
    %sign3A_48 = arith.extui %sign3A_47 : i1 to i32
    %sign3A_49 = arith.subi %sign3A_45, %sign3A_48 : i32
    %sign3A_50 = arith.constant 0 : i32
    %sign3A_51 = arith.cmpi sgt, %jit3A_42, %sign3A_50 : i32
    %sign3A_52 = arith.extui %sign3A_51 : i1 to i32
    %sign3A_53 = arith.constant 0 : i32
    %sign3A_54 = arith.cmpi slt, %jit3A_42, %sign3A_53 : i32
    %sign3A_55 = arith.extui %sign3A_54 : i1 to i32
    %sign3A_56 = arith.subi %sign3A_52, %sign3A_55 : i32
    %ne3A = arith.cmpi ne, %sign3A_49, %sign3A_56 : i32
    %rem3A = arith.remsi %squeeze3A, %jit3A_42 : i32
    %ne3A_57 = arith.constant 0 : i32
    %ne3A_58 = arith.cmpi ne, %rem3A, %ne3A_57 : i32
    %and3A = arith.andi %ne3A, %ne3A_58 : i1
    %sub3A_59 = arith.constant 1 : i32
    %sub3A_60 = arith.subi %div3A_43, %sub3A_59 : i32
    %select_n3A_61 = arith.select %and3A, %sub3A_60, %div3A_43 : i32
    %max3A = arith.constant 1 : i32
    %max3A_62 = arith.maxsi %select_n3A_61, %max3A : i32
    %get3A_63 = arith.constant 0 : index
    %get3A_64 = arith.constant 0 : index
    %get3A_65 = vector.load %arg10[%get3A_63, %get3A_64] : memref<64x512xf32, #tpu.memory_space<vmem>>, vector<64x512xf32>
    %reduce_sum3A_66 = arith.constant dense<0.000000e+00> : vector<64xf32>
    %reduce_sum3A_67 = vector.multi_reduction <add>, %get3A_65, %reduce_sum3A_66 [1] : vector<64x512xf32> to vector<64xf32>
    %broadcast_in_dim3A_68 = vector.shape_cast %reduce_sum3A_67 : vector<64xf32> to vector<64x1xf32>
    %dot_general3A = arith.constant dense<0.000000e+00> : vector<64x2048xf32>
    %dot_general3A_69 = tpu.matmul %get3A_65, %get3A_5, %dot_general3A {dimension_numbers = #tpu.dot_dimension_numbers<[1], [1], [0], [0], [0, 0, 1, 0], [], []>, transpose_lhs_hint = false} : vector<64x512xf32>, vector<2048x512xf32>, vector<64x2048xf32> -> vector<64x2048xf32>
    %mul3A_70 = vector.broadcast %broadcast_in_dim3A_68 : vector<64x1xf32> to vector<64x2048xf32>
    %mul3A_71 = vector.broadcast %reshape3A : vector<1x2048xf32> to vector<64x2048xf32>
    %mul3A_72 = arith.mulf %mul3A_70, %mul3A_71 : vector<64x2048xf32>
    %sub3A_73 = arith.subf %dot_general3A_69, %mul3A_72 : vector<64x2048xf32>
    %mul3A_74 = arith.constant 0.0441941731 : f32
    %mul3A_75 = vector.broadcast %mul3A_74 : f32 to vector<1x2048xf32>
    %mul3A_76 = arith.mulf %reshape3A_18, %mul3A_75 : vector<1x2048xf32>
    %mul3A_77 = vector.broadcast %mul3A_76 : vector<1x2048xf32> to vector<64x2048xf32>
    %mul3A_78 = arith.mulf %sub3A_73, %mul3A_77 : vector<64x2048xf32>
    %jit3A_79 = arith.constant -5.000000e+00 : f32
    %jit3A_80 = arith.constant 5.000000e+00 : f32
    %max3A_81 = vector.broadcast %jit3A_79 : f32 to vector<64x2048xf32>
    %max3A_82 = arith.maximumf %max3A_81, %mul3A_78 : vector<64x2048xf32>
    %min3A = vector.broadcast %jit3A_80 : f32 to vector<64x2048xf32>
    %min3A_83 = arith.minimumf %min3A, %max3A_82 : vector<64x2048xf32>
    %iota3A = tpu.iota {dimensions = array<i32: 0>} : vector<64x1xi32>
    %mul3A_84 = vector.broadcast %max3A_62 : i32 to vector<64x1xi32>
    %mul3A_85 = arith.muli %iota3A, %mul3A_84 : vector<64x1xi32>
    %add3A_86 = vector.broadcast %max3A_62 : i32 to vector<64x1xi32>
    %add3A_87 = arith.addi %mul3A_85, %add3A_86 : vector<64x1xi32>
    %ge3A_88 = vector.broadcast %concatenate3A : vector<1x2048xi32> to vector<64x2048xi32>
    %ge3A_89 = vector.broadcast %mul3A_85 : vector<64x1xi32> to vector<64x2048xi32>
    %ge3A_90 = arith.cmpi sge, %ge3A_88, %ge3A_89 : vector<64x2048xi32>
    %lt3A = vector.broadcast %concatenate3A : vector<1x2048xi32> to vector<64x2048xi32>
    %lt3A_91 = vector.broadcast %add3A_87 : vector<64x1xi32> to vector<64x2048xi32>
    %lt3A_92 = arith.cmpi slt, %lt3A, %lt3A_91 : vector<64x2048xi32>
    %and3A_93 = arith.andi %ge3A_90, %lt3A_92 : vector<64x2048xi1>
    %jit3A_94 = arith.constant -1.000000e+04 : f32
    %broadcast_in_dim3A_95 = vector.broadcast %jit3A_94 : f32 to vector<64x2048xf32>
    %select_n3A_96 = arith.select %and3A_93, %min3A_83, %broadcast_in_dim3A_95 : vector<64x2048xi1>, vector<64x2048xf32>
    %reduce_max3A_97 = arith.constant dense<0xFF800000> : vector<64xf32>
    %reduce_max3A_98 = vector.multi_reduction <maximumf>, %select_n3A_96, %reduce_max3A_97 [1] : vector<64x2048xf32> to vector<64xf32>
    %broadcast_in_dim3A_99 = vector.shape_cast %reduce_max3A_98 : vector<64xf32> to vector<64x1xf32>
    %sub3A_100 = vector.broadcast %broadcast_in_dim3A_99 : vector<64x1xf32> to vector<64x2048xf32>
    %sub3A_101 = arith.subf %select_n3A_96, %sub3A_100 : vector<64x2048xf32>
    %exp3A = math.exp %sub3A_101 : vector<64x2048xf32>
    %jit3A_102 = arith.constant 0.000000e+00 : f32
    %broadcast_in_dim3A_103 = vector.broadcast %jit3A_102 : f32 to vector<64x2048xf32>
    %select_n3A_104 = arith.select %and3A_93, %exp3A, %broadcast_in_dim3A_103 : vector<64x2048xi1>, vector<64x2048xf32>
    %reduce_sum3A_105 = arith.constant dense<0.000000e+00> : vector<64xf32>
    %reduce_sum3A_106 = vector.multi_reduction <add>, %select_n3A_104, %reduce_sum3A_105 [1] : vector<64x2048xf32> to vector<64xf32>
    %broadcast_in_dim3A_107 = vector.shape_cast %reduce_sum3A_106 : vector<64xf32> to vector<64x1xf32>
    %max3A_108 = arith.constant 1.000000e-30 : f32
    %max3A_109 = vector.broadcast %max3A_108 : f32 to vector<64x1xf32>
    %max3A_110 = arith.maximumf %broadcast_in_dim3A_107, %max3A_109 : vector<64x1xf32>
    %div3A_111 = vector.broadcast %max3A_110 : vector<64x1xf32> to vector<64x2048xf32>
    %div3A_112 = arith.divf %select_n3A_104, %div3A_111 : vector<64x2048xf32>
    %mul3A_113 = vector.broadcast %reshape3A_18 : vector<1x2048xf32> to vector<64x2048xf32>
    %mul3A_114 = arith.mulf %div3A_112, %mul3A_113 : vector<64x2048xf32>
    %dot_general3A_115 = arith.constant dense<0.000000e+00> : vector<64x512xf32>
    %dot_general3A_116 = tpu.matmul %mul3A_114, %get3A_5, %dot_general3A_115 {dimension_numbers = #tpu.dot_dimension_numbers<[1], [0], [0], [1], [0, 0, 1, 1], [], []>, transpose_lhs_hint = false} : vector<64x2048xf32>, vector<2048x512xf32>, vector<64x512xf32> -> vector<64x512xf32>
    %mul3A_117 = vector.broadcast %reshape3A : vector<1x2048xf32> to vector<64x2048xf32>
    %mul3A_118 = arith.mulf %mul3A_114, %mul3A_117 : vector<64x2048xf32>
    %reduce_sum3A_119 = arith.constant dense<0.000000e+00> : vector<64xf32>
    %reduce_sum3A_120 = vector.multi_reduction <add>, %mul3A_118, %reduce_sum3A_119 [1] : vector<64x2048xf32> to vector<64xf32>
    %broadcast_in_dim3A_121 = vector.shape_cast %reduce_sum3A_120 : vector<64xf32> to vector<64x1xf32>
    %sub3A_122 = vector.broadcast %broadcast_in_dim3A_121 : vector<64x1xf32> to vector<64x512xf32>
    %sub3A_123 = arith.subf %dot_general3A_116, %sub3A_122 : vector<64x512xf32>
    %get3A_124 = arith.constant 0 : index
    %get3A_125 = arith.constant 0 : index
    %get3A_126 = vector.load %arg11[%get3A_124, %get3A_125] : memref<512x512xf32, #tpu.memory_space<vmem>>, vector<512x512xf32>
    %dot_general3A_127 = arith.constant dense<0.000000e+00> : vector<64x512xf32>
    %dot_general3A_128 = tpu.matmul %sub3A_123, %get3A_126, %dot_general3A_127 {dimension_numbers = #tpu.dot_dimension_numbers<[1], [1], [0], [0], [0, 0, 1, 0], [], []>, transpose_lhs_hint = false} : vector<64x512xf32>, vector<512x512xf32>, vector<64x512xf32> -> vector<64x512xf32>
    %get3A_129 = arith.constant 0 : index
    %get3A_130 = arith.constant 0 : index
    %get3A_131 = vector.load %arg8[%get3A_129, %get3A_130] : memref<1x512xf32, #tpu.memory_space<vmem>>, vector<1x512xf32>
    %add3A_132 = vector.broadcast %get3A_131 : vector<1x512xf32> to vector<64x512xf32>
    %add3A_133 = arith.addf %dot_general3A_128, %add3A_132 : vector<64x512xf32>
    %get3A_134 = arith.constant 0 : index
    %get3A_135 = arith.constant 0 : index
    %get3A_136 = vector.load %arg3[%get3A_134, %get3A_135] : memref<64x512xf32, #tpu.memory_space<vmem>>, vector<64x512xf32>
    %lt3A_137 = vector.broadcast %squeeze3A : i32 to vector<64x1xi32>
    %lt3A_138 = arith.cmpi slt, %mul3A_85, %lt3A_137 : vector<64x1xi32>
    %get3A_139 = arith.constant 0 : index
    %get3A_140 = arith.constant 0 : index
    %get3A_141 = vector.load %arg12[%get3A_139, %get3A_140] : memref<64x512xf32, #tpu.memory_space<vmem>>, vector<64x512xf32>
    %broadcast_in_dim3A_142 = vector.shape_cast %lt3A_138 : vector<64x1xi1> to vector<64x1xi1>
    %broadcast_in_dim3A_143 = vector.broadcast %broadcast_in_dim3A_142 : vector<64x1xi1> to vector<64x512xi1>
    %select_n3A_144 = arith.select %broadcast_in_dim3A_143, %add3A_133, %get3A_141 : vector<64x512xi1>, vector<64x512xf32>
    %gt3A = arith.constant 0 : i32
    %gt3A_145 = arith.cmpi sgt, %squeeze3A, %gt3A : i32
    %select_n3A_146 = arith.select %gt3A_145, %select_n3A_144, %get3A_136 : vector<64x512xf32>
    %swap3A = arith.constant 0 : index
    %swap3A_147 = arith.constant 0 : index
    %swap3A_148 = arith.constant 0 : index
    %swap3A_149 = vector.load %arg9[%swap3A, %swap3A_147, %swap3A_148] : memref<1x64x512xf32, #tpu.memory_space<vmem>>, vector<1x64x512xf32>
    %swap3A_150 = vector.shape_cast %swap3A_149 : vector<1x64x512xf32> to vector<64x512xf32>
    %swap3A_151 = vector.shape_cast %select_n3A_146 : vector<64x512xf32> to vector<1x64x512xf32>
    tpu.vector_store %arg9[%swap3A, %swap3A_147, %swap3A_148], %swap3A_151 {strides = array<i32>} : memref<1x64x512xf32, #tpu.memory_space<vmem>>, vector<1x64x512xf32>,
    return
  }
  func.func @transform_0(%arg0: i32) -> (i32, i32, i32) {
    %c0_i32 = arith.constant 0 : i32
    %c0_i32_0 = arith.constant 0 : i32
    %c0_i32_1 = arith.constant 0 : i32
    return %arg0, %c0_i32, %c0_i32_0 : i32, i32, i32
  }
  func.func @transform_1(%arg0: i32) -> (i32, i32, i32) {
    %c0_i32 = arith.constant 0 : i32
    %c0_i32_0 = arith.constant 0 : i32
    %c0_i32_1 = arith.constant 0 : i32
    return %arg0, %c0_i32, %c0_i32_0 : i32, i32, i32
  }
  func.func @transform_2(%arg0: i32) -> (i32, i32) {
    %c0_i32 = arith.constant 0 : i32
    %c0_i32_0 = arith.constant 0 : i32
    %c0_i32_1 = arith.constant 0 : i32
    return %c0_i32, %c0_i32_0 : i32, i32
  }
  func.func @transform_3(%arg0: i32) -> (i32, i32) {
    %c0_i32 = arith.constant 0 : i32
    %c0_i32_0 = arith.constant 0 : i32
    %c0_i32_1 = arith.constant 0 : i32
    return %c0_i32, %c0_i32_0 : i32, i32
  }
  func.func @transform_4(%arg0: i32) -> (i32, i32) {
    %c0_i32 = arith.constant 0 : i32
    %c0_i32_0 = arith.constant 0 : i32
    %c0_i32_1 = arith.constant 0 : i32
    return %c0_i32, %c0_i32_0 : i32, i32
  }
  func.func @transform_5(%arg0: i32) -> (i32, i32) {
    %c0_i32 = arith.constant 0 : i32
    %c0_i32_0 = arith.constant 0 : i32
    %c0_i32_1 = arith.constant 0 : i32
    return %c0_i32, %c0_i32_0 : i32, i32
  }
  func.func @transform_6(%arg0: i32) -> (i32, i32) {
    %c0_i32 = arith.constant 0 : i32
    %c0_i32_0 = arith.constant 0 : i32
    %c0_i32_1 = arith.constant 0 : i32
    return %c0_i32, %c0_i32_0 : i32, i32
  }
  func.func @transform_7(%arg0: i32) -> (i32, i32) {
    %c0_i32 = arith.constant 0 : i32
    %c0_i32_0 = arith.constant 0 : i32
    %c0_i32_1 = arith.constant 0 : i32
    return %c0_i32, %c0_i32_0 : i32, i32
  }
  func.func @transform_8(%arg0: i32) -> (i32, i32, i32) {
    %c0_i32 = arith.constant 0 : i32
    %c0_i32_0 = arith.constant 0 : i32
    %c0_i32_1 = arith.constant 0 : i32
    return %arg0, %c0_i32, %c0_i32_0 : i32, i32, i32
  }
}

</mosaic_0001>

<sc_bundles>
// kernel: kernel.4.cloned.1.call-start
scs
__scs_entry_jumppad:
0x0: {  	(pc) =	sbr.rel $0x88, $3  }
0x1: {  	(tag) =	ssettag $0x0;
	lr =	simm.s32 $0x1  }
0x2: {  	[smem:$0x3F99] =	sst lr;
	_ =	strace $0xD0000000  }
0x3: {  	_ = 	snop  }
0x4: {  	_ = 	snop  }
0x5: {  	_ = 	snop  }
0x6: {  	_ = 	snop  }
0x7: {  	_ = 	snop  }
__scs_overlays_trampoline_lowered:
0x8: {  	[smem:$0x3FA8] =	sst s0  }
0x9: {  	[smem:$0x3FA9] =	sst s1  }
0xa: {  	[smem:$0x3FAA] =	sst s2  }
0xb: {  	[smem:$0x3FAB] =	sst s3  }
0xc: {  	[smem:$0x3FAC] =	sst s4  }
0xd: {  	[smem:$0x3FAD] =	sst s5  }
0xe: {  	[smem:$0x3FAE] =	sst s6  }
0xf: {  	[smem:$0x3FAF] =	sst s7  }
0x10: {  	[smem:$0x3FB0] =	sst s8  }
0x11: {  	[smem:$0x3FB1] =	sst s9;
	s0 =	simm.s32 @!p0 $0x0  }
0x12: {  	s1 =	sld [smem:$0x3F97];
	s0 =	simm.s32 @p0 $0x1  }
0x13: {  	[smem:$0x3FB2] =	sst s0;
	s0 =	simm.s32 @!p1 $0x0  }
0x14: {  	s2 =	sld [smem:$0x3F96];
	s0 =	simm.s32 @p1 $0x1  }
0x15: {  	[smem:$0x3FB3] =	sst s0;
	s0 =	simm.s32 @!p2 $0x0  }
0x16: {  	s3 =	sld [smem:$0x3FDB];
	s0 =	simm.s32 @p2 $0x1  }
0x17: {  	s4 =	simm.s32 $0x1BF5;
	[smem:$0x3FB5] =	sst s0  }
0x18: {  	s0 =	sld [smem:$0x3F98];
	_ =	swait.ge [sflag:s4], $0x0  }
0x19: {  	s7 =	sld [smem:$0x3F99]  }
0x1a: {  	s8 =	sadd.s32 $0xFFFFE003, lr  }
0x1b: {  	s9 =	sadd.s32 $0xFFFFFEF7, lr;
	s5 =	simm.s32 $0xFFFFFFFF;
	p2 =	slt.u32 s8, $0xFFFFF086  }
0x1c: {  	p1 =	slt.u32 s9, $0xF7A;
	s5 =	simm.s32 @!p2 $0x0  }
0x1d: {  	s5 =	simm.s32 @p1 $0x1;
	p0 =	seq.s32 s7, s2  }
0x1e: {  	s7 =	smul.u32 @!p0 $0xF7A, s2;
	p2 =	seq.s32 @!p0 s5, $0x0  }
0x1f: {  	s9 =	smul.u32 $0xF7A, s1;
	s8 =	simm.s32 @!p0 $0x1BF5;
	p2 =	por !p2, p0  }
0x20: {  	[sflag:s8] =	ssyncset.s32 @!p0 $0xFFFFF086;
	s6 =	sadd.s32 @!p0 s3, s7;
	s7 =	simm.s32 @!p0 $0x108  }
0x21: {  	s3 =	sadd.s32 s3, s9;
	s6 =	sadd.s32 @!p0 $0x88, s6;
	s7 =	simm.s32 @p2 $0x1082  }
0x22: {  	[simem:s7], [sflag:s8] =	dma.local @!p0 [hbm:s6], $0xF7A  }
0x23: {  	s9 =	sor.u32 $0xD0000000, s2;
	s6 =	simm.s32 $0x108;
	_ =	swait.ge @!p0 [sflag:s8], $0x0  }
0x24: {  	s3 =	sadd.s32 $0x88, s3;
	s6 =	simm.s32 @!p1 $0x1082;
	[sflag:s4] =	ssyncset.s32 $0xFFFFF086  }
0x25: {  	[simem:s6], [sflag:s4] =	dma.local [hbm:s3], $0xF7A  }
0x26: {  	[smem:$0x3F99] =	sst s1;
	(tag) =	ssettag s2;
	_ =	strace s9  }
0x27: {  	s1 =	sld [smem:$0x3FA9]  }
0x28: {  	s2 =	sld [smem:$0x3FAA]  }
0x29: {  	s4 =	sld [smem:$0x3FAC]  }
0x2a: {  	p0 =	seq.s32 s5, $0x0;
	s5 =	sld [smem:$0x3FAD]  }
0x2b: {  	s6 =	sld [smem:$0x3FAE]  }
0x2c: {  	s7 =	sld [smem:$0x3FAF]  }
0x2d: {  	s3 =	simm.s32 $0x108;
	s8 =	sld [smem:$0x3FB0]  }
0x2e: {  	s3 =	simm.s32 @!p0 $0x1082;
	s9 =	sld [smem:$0x3FB1]  }
0x2f: {  	lr =	sadd.s32 s0, s3;
	s0 =	sld [smem:$0x3FA8]  }
0x30: {  	s3 =	sld [smem:$0x3FAB]  }
0x31: {  	[smem:$0x3FB4] =	sst s10  }
0x32: {  	s10 =	sld [smem:$0x3FB2];
	_ =	sdelay $0x3  }
0x33: {  	p0 =	seq.s32 s10, $0x1;
	s10 =	sld [smem:$0x3FB4];
	_ =	sdelay $0x3  }
0x34: {  	[smem:$0x3FB4] =	sst s10  }
0x35: {  	s10 =	sld [smem:$0x3FB3];
	_ =	sdelay $0x3  }
0x36: {  	p1 =	seq.s32 s10, $0x1;
	s10 =	sld [smem:$0x3FB4];
	_ =	sdelay $0x3  }
0x37: {  	[smem:$0x3FB4] =	sst s10  }
0x38: {  	s10 =	sld [smem:$0x3FB5]  }
0x39: {  	_ = 	snop;
	(pc) =	sbr.ind lr, $3  }
0x3a: {  	_ = 	snop  }
0x3b: {  	_ = 	snop  }
0x3c: {  	p2 =	seq.s32 s10, $0x1;
	s10 =	sld [smem:$0x3FB4]  }
0x3d: {  	_ =	shalt  }
0x3e: {  	_ =	shalt  }
0x3f: {  	_ =	shalt  }
0x40: {  	_ =	shalt  }
0x41: {  	_ =	shalt  }
0x42: {  	_ =	shalt  }
0x43: {  	_ =	shalt  }
0x44: {  	_ =	shalt  }
0x45: {  	_ =	shalt  }
0x46: {  	_ =	shalt  }
0x47: {  	_ =	shalt  }
0x48: {  	_ =	shalt  }
0x49: {  	_ =	shalt  }
0x4a: {  	_ =	shalt  }
0x4b: {  	_ =	shalt  }
0x4c: {  	_ =	shalt  }
0x4d: {  	_ =	shalt  }
0x4e: {  	_ =	shalt  }
0x4f: {  	_ =	shalt  }
0x50: {  	_ =	shalt  }
0x51: {  	_ =	shalt  }
0x52: {  	_ =	shalt  }
0x53: {  	_ =	shalt  }
0x54: {  	_ =	shalt  }
0x55: {  	_ =	shalt  }
0x56: {  	_ =	shalt  }
0x57: {  	_ =	shalt  }
0x58: {  	_ =	shalt  }
0x59: {  	_ =	shalt  }
0x5a: {  	_ =	shalt  }
0x5b: {  	_ =	shalt  }
0x5c: {  	_ =	shalt  }
0x5d: {  	_ =	shalt  }
0x5e: {  	_ =	shalt  }
0x5f: {  	_ =	shalt  }
0x60: {  	_ =	shalt  }
0x61: {  	_ =	shalt  }
0x62: {  	_ =	shalt  }
0x63: {  	_ =	shalt  }
0x64: {  	_ =	shalt  }
0x65: {  	_ =	shalt  }
0x66: {  	_ =	shalt  }
0x67: {  	_ =	shalt  }
0x68: {  	_ =	shalt  }
0x69: {  	_ =	shalt  }
0x6a: {  	_ =	shalt  }
0x6b: {  	_ =	shalt  }
0x6c: {  	_ =	shalt  }
0x6d: {  	_ =	shalt  }
0x6e: {  	_ =	shalt  }
0x6f: {  	_ =	shalt  }
0x70: {  	_ =	shalt  }
0x71: {  	_ =	shalt  }
0x72: {  	_ =	shalt  }
0x73: {  	_ =	shalt  }
0x74: {  	_ =	shalt  }
0x75: {  	_ =	shalt  }
0x76: {  	_ =	shalt  }
0x77: {  	_ =	shalt  }
0x78: {  	_ =	shalt  }
0x79: {  	_ =	shalt  }
0x7a: {  	_ =	shalt  }
0x7b: {  	_ =	shalt  }
0x7c: {  	_ =	shalt  }
0x7d: {  	_ =	shalt  }
0x7e: {  	_ =	shalt  }
0x7f: {  	_ =	shalt  }
0x80: {  	_ =	shalt  }
0x81: {  	_ =	shalt  }
0x82: {  	_ =	shalt  }
0x83: {  	_ =	shalt  }
0x84: {  	_ =	shalt  }
0x85: {  	_ =	shalt  }
0x86: {  	_ =	shalt  }
0x87: {  	_ =	shalt  }
.Lfunc_end0:
.L_simem_size_0:
called_computation_lowered:
.L_overlay_start_0:
0x88: {  	s0 =	sld [smem:$0x3FD9]  }
0x89: {  	s1 =	sld [smem:$0x3FFE];
	_ =	sdelay $0x3  }
0x8a: {  	s0 =	sadd.s32 s1, s0  }
0x8b: {  	[smem:$0x3FC0] =	sst s0  }
0x8c: {  	_ = 	snop  }
0x8d: {  	s0 =	sld [smem:$0x3FD0];
	(tm) =	ssettm $0x1  }
0x8e: {  	s16 =	sld [smem:$0x3FFB];
	_ =	sdelay $0x3  }
0x8f: {  	_ =	strace s16  }
0x90: {  	s1 =	sld [smem:$0x3FFC];
	_ =	sdelay $0x3  }
0x91: {  	_ =	strace s1  }
0x92: {  	s1 =	sld [smem:$0x3FFD];
	_ =	sdelay $0x3  }
0x93: {  	_ =	strace s1  }
0x94: {  	_ =	strace $0x8FFFFFFF  }
0x95: {  	s17 =	sld [smem:$0x3FDB];
	_ =	sdelay $0x1  }
0x96: {  	s2 =	simm.s32 $_scs_section_size  }
0x97: {  	s3 =	simm.s32 $_size__tile_overlayer_lowered;
	s4 =	simm.s32 $_tile_overlayer_lowered  }
0x98: {  	s20 =	simm.s32 $0x1BFF;
	s19 =	sshll.u32 s4, $0x1;
	s1 =	sadd.s32 s2, s17  }
0x99: {  	s5 =	simm.s32 $0x0;
	s18 =	sshll.u32 s3, $0x1;
	s3 =	sadd.s32 s19, s1  }
0x9a: {  	[timem:s5], [sflag:s20] =	dma.local [hbm:s3], s18  }
0x9b: {  	_ =	swait.ge [sflag:s20], s18  }
0x9c: {  	s2 =	ssub.s32 $0x0, s18;
	[sflag:s20] =	ssyncset.done $0x0  }
0x9d: {  	[sflag:s20] =	ssyncadd.s32 s2;
	_ =	sdelay $0x1  }
0x9e: {  	s21 =	simm.s32 $0x1B8B  }
0x9f: {  	_ =	swait.ge [sflag:s21], $0x1  }
0xa0: {  	[sflag:s21] =	ssyncset.done $0x0  }
0xa1: {  	s23 =	simm.s32 $0x1B8E;
	s22 =	sld [smem:$0x3FFE];
	[sflag:s21] =	ssyncadd.s32 $0xFFFFFFFF  }
0xa2: {  	s24 =	simm.s32 $execute0_lowered;
	[smem:$0x3FD2] =	sst s23  }
0xa3: {  	s3 =	sshll.u32 s24, $0x1;
	_ =	strace $0x80000046;
	[dreg:$0x1] =	wrdreg $0xFFFFFFFF  }
0xa4: {  	s25 =	simm.s32 $_size_execute0_lowered;
	s1 =	sadd.s32 s1, s3;
	[dreg:$0x0] =	wrdreg $0x0  }
0xa5: {  	s3 =	sshll.u32 s25, $0x1;
	[dreg:$0x2] =	wrdreg s1  }
0xa6: {  	[dreg:$0x3] =	wrdreg s3  }
0xa7: {  	[dreg:$0x4] =	wrdreg $0xC0  }
0xa8: {  	_ =	task [dreg:s5], $0x5FFFF  }
0xa9: {  	[dreg:$0x1] =	wrdreg $0xFFFFFFFF  }
0xaa: {  	[dreg:$0x0] =	wrdreg $0x60  }
0xab: {  	[dreg:$0x2] =	wrdreg s0  }
0xac: {  	[dreg:$0x3] =	wrdreg s22  }
0xad: {  	[dreg:$0x4] =	wrdreg $0x9  }
0xae: {  	_ =	task.clear_ibuf [dreg:s5], $0x5FFFF;
	_ =	strace $0x90000046  }
0xaf: {  	s26 =	simm.s32 $0x9;
	_ =	strace $0x80000048  }
0xb0: {  	_ =	swait.ge [sflag:s26], $0x1  }
0xb1: {  	[sflag:s26] =	ssyncadd.s32 $0xFFFFFFFF  }
0xb2: {  	_ =	strace $0x90000048  }
0xb3: {  	_ =	sfence  }
0xb4: {  	s28 =	sld [smem:$0x0];
	_ =	sdelay $0x1  }
0xb5: {  	s29 =	srdreg.scid  }
0xb6: {  	s30 =	sshll.u32 s29, $0xD;
	s31 =	sshrl.u32 s29, $0x2  }
0xb7: {  	s2 =	sand.u32 $0x4000, s30;
	s1 =	sand.u32 $0x1, s29;
	s0 =	sadd.s32 s31, s28  }
0xb8: {  	s1 =	sor.u32 s2, s1;
	s0 =	sshll.u32 s0, $0x11  }
0xb9: {  	s0 =	sor.u32 s0, s1  }
0xba: {  	s0 =	sadd.s32 $0x8F2B, s0  }
0xbb: {  	[sflag:s0] =	ssyncadd.remote.s32 $0x1  }
0xbc: {  	_ =	sfence.sel $0xFFFF  }
0xbd: {  	[dreg:$0x0] =	wrdreg $0xFFFFFFFF;
	(pc) =	sbr.abs _section_cstart, $3  }
0xbe: {  	[dreg:$0x1] =	wrdreg $0xFFFFFFFF  }
0xbf: {  	_ =	task.clear_ibuf [dreg:s5], $0x2FFFF;
	_ =	strace $0x9FFFFFFF  }
0xc0: {  	(tm) =	ssettm $0x7FFFFFFF  }
0xc1: {  	_ =	shalt  }
tec
execute0_lowered:
.L_overlay_start_1:
0x0: {  	(tag) =	ssettag $0x1  }
0x1: {  	s3 =	rddreg [dreg:$0x0]  }
0x2: {  	s2 =	rddreg [dreg:$0x1];
	s1 =	stileid.u32  }
0x3: {  	s4 =	simm.s32 $0x0;
	s5 =	sshll.u32 s1, $0xA;
	s6 =	sshll.u32 s1, $0x3  }
0x4: {  	[smem:$0x7FF] =	sst s4;
	s5 =	sor.u32 s6, s5  }
0x5: {  	s0 =	rddreg [dreg:$0x2];
	_ =	strace $0x80000047;
	s6 =	sand.u32 $0x470, s5  }
0x6: {  	s5 =	simm.s32 $0x400;
	s7 =	sadd.s32 s3, s6;
	s3 =	simm.s32 $0x80  }
0x7: {  	[tilespmem:s4], [sflag:$0x1] =	stream.strided.gather [hbm4b:s7+s3], $0x400, s5, s3, $0x38;
	[tilespmem:$0x800] =	vst v63  }
0x8: {  	s4 =	simm.s32 $0x1  }
0x9: {  	_ =	swait.ge [sflag:s4], $0x400  }
0xa: {  	[sflag:s4] =	ssyncset.done $0x0  }
0xb: {  	[sflag:s4] =	ssyncadd.s32 $0xFFFFFC00  }
0xc: {  	v0 =	vld [tilespmem:$0x0];
	_ =	sdelay $0x2  }
0xd: {  	v1 =	vld [tilespmem:$0x10];
	_ =	sdelay $0x1  }
0xe: {  	v2 =	vsub.s32 $0x1, v0  }
0xf: {  	v3 =	vld [tilespmem:$0x20];
	(xrf0) =	vadd.scan.msk.s32 $0xffff, v2;
	_ =	sdelay $0x1  }
0x10: {  	v4 =	vld [tilespmem:$0x30];
	v44 =	vsub.s32 $0x1, v1  }
0x11: {  	(xrf0) =	vadd.scan.msk.s32 $0xffff, v44  }
0x12: {  	v5 =	vld [tilespmem:$0x40]  }
0x13: {  	v45 =	vsub.s32 $0x1, v3  }
0x14: {  	v6, _, _ =	vpop (xrf0);
	(xrf0) =	vadd.scan.msk.s32 $0xffff, v45  }
0x15: {  	v46 =	vsub.s32 $0x1, v4  }
0x16: {  	(xrf0) =	vadd.scan.msk.s32 $0xffff, v46  }
0x17: {  	v7 =	vld [tilespmem:$0x50];
	v47 =	vsub.s32 $0x1, v5;
	(v2sf) =	vpush v6, $0xF;
	v8, _, _ =	vpop (xrf0)  }
0x18: {  	(v2sf) =	vpush v8, $0xF;
	(xrf0) =	vadd.scan.msk.s32 $0xffff, v47  }
0x19: {  	v19 =	vld [tilespmem:$0x60]  }
0x1a: {  	v14, _, _ =	vpop (xrf0)  }
0x1b: {  	v20 =	vld [tilespmem:$0x70];
	(v2sf) =	vpush v14, $0xF  }
0x1c: {  	v48 =	vsub.s32 $0x1, v7;
	v15, _, _ =	vpop (xrf0)  }
0x1d: {  	(xrf0) =	vadd.scan.msk.s32 $0xffff, v48;
	(v2sf) =	vpush v15, $0xF  }
0x1e: {  	v21 =	vld [tilespmem:$0x80];
	v49 =	vsub.s32 $0x1, v19;
	v17, _, _ =	vpop (xrf0)  }
0x1f: {  	v9 =	vld [tilespmem:$0x90];
	(xrf0) =	vadd.scan.msk.s32 $0xffff, v49;
	(v2sf) =	vpush v17, $0xF  }
0x20: {  	v50 =	vsub.s32 $0x1, v20  }
0x21: {  	v10 =	vld [tilespmem:$0xA0];
	(xrf0) =	vadd.scan.msk.s32 $0xffff, v50;
	_ =	sdelay $0x1  }
0x22: {  	v12 =	vld [tilespmem:$0xB0];
	v51 =	vsub.s32 $0x1, v21;
	v18, _, _ =	vpop (xrf0)  }
0x23: {  	v52 =	vsub.s32 $0x1, v9;
	(xrf0) =	vadd.scan.msk.s32 $0xffff, v51;
	(v2sf) =	vpush v18, $0xF  }
0x24: {  	v11 =	vld [tilespmem:$0xC0];
	v22, _, _ =	vpop (xrf0);
	(xrf0) =	vadd.scan.msk.s32 $0xffff, v52  }
0x25: {  	v53 =	vsub.s32 $0x1, v10;
	s13 =	spop (v2sf)  }
0x26: {  	vm0 =	veq.s32 v0, $0x0;
	v6 =	vadd.s32 $0xFFFFFFFF, v6;
	v23, _, _ =	vpop (xrf0);
	(xrf0) =	vadd.scan.msk.s32 $0xffff, v53;
	(v2sf) =	vpush v22, $0xF;
	s8 =	spop (v2sf)  }
0x27: {  	vm15 =	veq.s32 v1, $0x0;
	v57 =	vsub.s32 $0x1, v12;
	v13 =	vbroadcast v6, $0xF;
	s7 =	sadd.s32 s13, s8  }
0x28: {  	vm1 =	veq.s32 v3, $0x0;
	(v2sf) =	vpush v23, $0xF;
	v16 =	vmov s7  }
0x29: {  	v58 =	vsub.s32 $0x1, v11;
	v55 =	vadd.s32 v8, v13;
	v13 =	vld [tilespmem:$0xD0];
	v56, _, _ =	vpop (xrf0);
	(xrf0) =	vadd.scan.msk.s32 $0xffff, v57;
	v54 =	vadd.s32 $0xFFFFFFFF, v16;
	s14 =	spop (v2sf)  }
0x2a: {  	vm4 =	veq.s32 v4, $0x0;
	(xrf0) =	vadd.scan.msk.s32 $0xffff, v58;
	v24, _, _ =	vpop (xrf0);
	v2 =	vbroadcast v54, $0x0;
	(v2sf) =	vpush v56, $0xF;
	s7 =	sadd.s32 s7, s14  }
0x2b: {  	vm5 =	veq.s32 v5, $0x0;
	v16 =	vld [tilespmem:$0xE0];
	s15 =	spop (v2sf);
	(v2sf) =	vpush v24, $0xF;
	v59 =	vmov s7  }
0x2c: {  	vm2 =	veq.s32 v7, $0x0;
	v25, _, _ =	vpop (xrf0);
	v14 =	vadd.s32 v14, v2;
	v60 =	vadd.s32 $0xFFFFFFFF, v59  }
0x2d: {  	v1 =	vnsel vm1, $0xFFFFFFFF, v14;
	s16 =	spop (v2sf);
	(v2sf) =	vpush v25, $0xF;
	v14 =	vld [tilespmem:$0xF0];
	v3 =	vbroadcast v60, $0x0  }
0x2e: {  	vm6 =	veq.s32 v19, $0x0;
	vm7 =	veq.s32 v20, $0x0;
	v27 =	vsub.s32 $0x1, v13;
	s7 =	sadd.s32 s7, s15  }
0x2f: {  	v0 =	vnsel vm0, $0xFFFFFFFF, v6;
	(xrf0) =	vadd.scan.msk.s32 $0xffff, v27;
	v63, _, _ =	vpop (xrf0);
	v61 =	vmov s7;
	v3 =	vadd.s32 v15, v3;
	v15 =	vld [tilespmem:$0x100]  }
0x30: {  	s7 =	sadd.s32 s7, s16;
	v34 =	vsub.s32 $0x1, v16;
	(v2sf) =	vpush v63, $0xF;
	v36, _, _ =	vpop (xrf0);
	v6 =	vadd.s32 $0xFFFFFFFF, v61  }
0x31: {  	v19 =	vld [tilespmem:$0x130];
	v26 =	vmov s7;
	(v2sf) =	vpush v36, $0xF;
	v6 =	vbroadcast v6, $0x0  }
0x32: {  	vm8 =	veq.s32 v21, $0x0;
	(xrf0) =	vadd.scan.msk.s32 $0xffff, v34;
	v62 =	vadd.s32 $0xFFFFFFFF, v26;
	s17 =	spop (v2sf);
	v38 =	vsub.s32 $0x1, v14  }
0x33: {  	vm9 =	veq.s32 v9, $0x0;
	v4 =	vbroadcast v62, $0x0;
	v6 =	vadd.s32 v17, v6;
	s7 =	sadd.s32 s7, s17;
	v17 =	vld [tilespmem:$0x110];
	(xrf0) =	vadd.scan.msk.s32 $0xffff, v38  }
0x34: {  	vm10 =	veq.s32 v10, $0x0;
	v35 =	vmov s7;
	v41 =	vsub.s32 $0x1, v15  }
0x35: {  	vm11 =	veq.s32 v12, $0x0;
	v28, _, _ =	vpop (xrf0);
	v4 =	vadd.s32 v18, v4;
	v18 =	vld [tilespmem:$0x120];
	v5 =	vadd.s32 $0xFFFFFFFF, v35;
	s18 =	spop (v2sf);
	(xrf0) =	vadd.scan.msk.s32 $0xffff, v41  }
0x36: {  	vm12 =	veq.s32 v11, $0x0;
	v49 =	vsub.s32 $0x1, v19;
	v37 =	vbroadcast v5, $0x0;
	s7 =	sadd.s32 s7, s18  }
0x37: {  	v5 =	vnsel vm5, $0xFFFFFFFF, v6;
	s19 =	spop (v2sf);
	(v2sf) =	vpush v28, $0xF;
	v40 =	vmov s7  }
0x38: {  	v29, _, _ =	vpop (xrf0);
	s7 =	sadd.s32 s7, s19;
	v39 =	vadd.s32 v22, v37;
	v6 =	vadd.s32 $0xFFFFFFFF, v40;
	v44 =	vsub.s32 $0x1, v17  }
0x39: {  	v42 =	vmov s7;
	v6 =	vbroadcast v6, $0x0;
	v30, _, _ =	vpop (xrf0);
	(xrf0) =	vadd.scan.msk.s32 $0xffff, v44;
	s20 =	spop (v2sf);
	(v2sf) =	vpush v29, $0xF  }
0x3a: {  	v43 =	vadd.s32 $0xFFFFFFFF, v42;
	v47 =	vsub.s32 $0x1, v18;
	s7 =	sadd.s32 s7, s20;
	s21 =	spop (v2sf);
	(v2sf) =	vpush v30, $0xF  }
0x3b: {  	v22 =	vbroadcast v43, $0x0;
	v6 =	vadd.s32 v23, v6;
	v45 =	vmov s7;
	s7 =	sadd.s32 s7, s21;
	v32, _, _ =	vpop (xrf0)  }
0x3c: {  	v23 =	vld [tilespmem:$0x140];
	(xrf0) =	vadd.scan.msk.s32 $0xffff, v47;
	s22 =	spop (v2sf);
	v46 =	vadd.s32 $0xFFFFFFFF, v45;
	v48 =	vmov s7;
	(v2sf) =	vpush v32, $0xF  }
0x3d: {  	vm13 =	veq.s32 v13, $0x0;
	(xrf0) =	vadd.scan.msk.s32 $0xffff, v49;
	v20 =	vbroadcast v46, $0x0;
	v21 =	vadd.s32 $0xFFFFFFFF, v48  }
0x3e: {  	v2 =	vnsel vm15, $0xFFFFFFFF, v55;
	v22 =	vadd.s32 v56, v22;
	v31 =	vbroadcast v21, $0x0;
	v21 =	vld [tilespmem:$0x150]  }
0x3f: {  	v8 =	vnsel vm7, $0xFFFFFFFF, v6;
	v6 =	vnsel vm8, $0xFFFFFFFF, v22;
	v22 =	vld [tilespmem:$0x160];
	s7 =	sadd.s32 s7, s22;
	s23 =	spop (v2sf);
	v33, _, _ =	vpop (xrf0);
	v20 =	vadd.s32 v24, v20  }
0x40: {  	vm14 =	veq.s32 v16, $0x0;
	v50 =	vmov s7;
	s24 =	spop (v2sf);
	(v2sf) =	vpush v33, $0xF  }
0x41: {  	v7 =	vnsel vm4, $0xFFFFFFFF, v3;
	s7 =	sadd.s32 s7, s23;
	v51 =	vadd.s32 $0xFFFFFFFF, v50;
	v53 =	vsub.s32 $0x1, v23  }
0x42: {  	v55 =	vmov s7;
	v52 =	vbroadcast v51, $0x0;
	v9 =	vnsel vm9, $0xFFFFFFFF, v20;
	v20, _, _ =	vpop (xrf0)  }
0x43: {  	v26 =	vld [tilespmem:$0x170];
	(xrf0) =	vadd.scan.msk.s32 $0xffff, v53;
	v12 =	vadd.s32 $0xFFFFFFFF, v55;
	(v2sf) =	vpush v20, $0xF;
	v34, _, _ =	vpop (xrf0);
	v59 =	vsub.s32 $0x1, v21  }
0x44: {  	s7 =	sadd.s32 s7, s24;
	v24 =	vld [tilespmem:$0x180];
	v25 =	vadd.s32 v25, v31;
	v60 =	vsub.s32 $0x1, v22;
	(v2sf) =	vpush v34, $0xF;
	(xrf0) =	vadd.scan.msk.s32 $0xffff, v59  }
0x45: {  	v56 =	vmov s7;
	v57 =	vbroadcast v12, $0x0;
	v12 =	vnsel vm10, $0xFFFFFFFF, v25;
	v25 =	vld [tilespmem:$0x190];
	(xrf0) =	vadd.scan.msk.s32 $0xffff, v60  }
0x46: {  	v3 =	vnsel vm2, $0xFFFFFFFF, v4;
	vm5 =	veq.s32 v17, $0x0;
	v58 =	vadd.s32 $0xFFFFFFFF, v56;
	s25 =	spop (v2sf)  }
0x47: {  	v4 =	vnsel vm6, $0xFFFFFFFF, v39;
	v54 =	vadd.s32 v63, v52;
	v35 =	vbroadcast v58, $0x0;
	s7 =	sadd.s32 s7, s25  }
0x48: {  	v27 =	vadd.s32 v36, v57;
	v36 =	vsub.s32 $0x1, v26;
	v62 =	vmov s7;
	s26 =	spop (v2sf)  }
0x49: {  	v13 =	vnsel vm12, $0xFFFFFFFF, v27;
	v45 =	vsub.s32 $0x1, v24;
	v63, _, _ =	vpop (xrf0);
	v40 =	vadd.s32 $0xFFFFFFFF, v62;
	(xrf0) =	vadd.scan.msk.s32 $0xffff, v36;
	s7 =	sadd.s32 s7, s26;
	s28 =	spop (v2sf)  }
0x4a: {  	(v2sf) =	vpush v63, $0xF;
	v47 =	vsub.s32 $0x1, v25;
	v42 =	vmov s7;
	s7 =	sadd.s32 s7, s28;
	v37, _, _ =	vpop (xrf0)  }
0x4b: {  	v43 =	vadd.s32 $0xFFFFFFFF, v42;
	v44 =	vmov s7;
	(v2sf) =	vpush v37, $0xF;
	v39, _, _ =	vpop (xrf0);
	s29 =	spop (v2sf)  }
0x4c: {  	v31 =	vld [tilespmem:$0x1A0];
	(xrf0) =	vadd.scan.msk.s32 $0xffff, v45;
	v27 =	vbroadcast v43, $0x0;
	v46 =	vadd.s32 $0xFFFFFFFF, v44;
	(v2sf) =	vpush v39, $0xF;
	s7 =	sadd.s32 s7, s29  }
0x4d: {  	v41 =	vbroadcast v40, $0x0;
	(xrf0) =	vadd.scan.msk.s32 $0xffff, v47;
	v48 =	vbroadcast v46, $0x0;
	v49 =	vmov s7  }
0x4e: {  	v61 =	vadd.s32 v28, v35;
	v50 =	vadd.s32 v30, v27;
	v27 =	vld [tilespmem:$0x1B0];
	v51 =	vadd.s32 $0xFFFFFFFF, v49  }
0x4f: {  	v28 =	vadd.s32 v29, v41;
	s30 =	spop (v2sf);
	v52 =	vadd.s32 v32, v48;
	v32, _, _ =	vpop (xrf0);
	v30 =	vbroadcast v51, $0x0  }
0x50: {  	v10 =	vnsel vm11, $0xFFFFFFFF, v54;
	v16 =	vnsel vm14, $0xFFFFFFFF, v28;
	v28 =	vld [tilespmem:$0x1C0];
	s7 =	sadd.s32 s7, s30;
	(v2sf) =	vpush v32, $0xF  }
0x51: {  	v53 =	vsub.s32 $0x1, v31;
	v54 =	vmov s7;
	v30 =	vadd.s32 v33, v30  }
0x52: {  	vm4 =	veq.s32 v15, $0x0;
	v29 =	vld [tilespmem:$0x1D0];
	(xrf0) =	vadd.scan.msk.s32 $0xffff, v53;
	v40, _, _ =	vpop (xrf0);
	v55 =	vadd.s32 $0xFFFFFFFF, v54;
	s31 =	spop (v2sf);
	v15 =	vnsel vm5, $0xFFFFFFFF, v30  }
0x53: {  	v42, _, _ =	vpop (xrf0);
	s9 =	spop (v2sf);
	(v2sf) =	vpush v40, $0xF;
	v57 =	vsub.s32 $0x1, v27;
	v30 =	vbroadcast v55, $0x0  }
0x54: {  	vm15 =	veq.s32 v14, $0x0;
	vm6 =	veq.s32 v18, $0x0;
	(v2sf) =	vpush v42, $0xF;
	(xrf0) =	vadd.scan.msk.s32 $0xffff, v57  }
0x55: {  	vm7 =	veq.s32 v19, $0x0;
	v38 =	vsub.s32 $0x1, v28;
	v20 =	vadd.s32 v20, v30;
	v30 =	vld [tilespmem:$0x1E0]  }
0x56: {  	vm8 =	veq.s32 v23, $0x0;
	vm10 =	veq.s32 v22, $0x0;
	vm9 =	veq.s32 v21, $0x0;
	s7 =	sadd.s32 s7, s31;
	(xrf0) =	vadd.scan.msk.s32 $0xffff, v38;
	v38 =	vld [tilespmem:$0x1F0]  }
0x57: {  	v11 =	vnsel vm13, $0xFFFFFFFF, v61;
	v61 =	vsub.s32 $0x1, v29;
	v56 =	vmov s7;
	s7 =	sadd.s32 s7, s9  }
0x58: {  	v14 =	vnsel vm15, $0xFFFFFFFF, v50;
	v17 =	vnsel vm4, $0xFFFFFFFF, v52;
	v58 =	vmov s7;
	v43, _, _ =	vpop (xrf0);
	(xrf0) =	vadd.scan.msk.s32 $0xffff, v61  }
0x59: {  	v33 =	vadd.s32 $0xFFFFFFFF, v56;
	s10 =	spop (v2sf);
	v59 =	vadd.s32 $0xFFFFFFFF, v58;
	(v2sf) =	vpush v43, $0xF  }
0x5a: {  	v33 =	vbroadcast v33, $0x0;
	s7 =	sadd.s32 s7, s10;
	v18 =	vbroadcast v59, $0x0;
	s11 =	spop (v2sf);
	v44, _, _ =	vpop (xrf0);
	v41 =	vsub.s32 $0x1, v30  }
0x5b: {  	v36 =	vld [tilespmem:$0x200];
	v60 =	vmov s7;
	v49 =	vsub.s32 $0x1, v38;
	s7 =	sadd.s32 s7, s11;
	s12 =	spop (v2sf);
	(v2sf) =	vpush v44, $0xF;
	(xrf0) =	vadd.scan.msk.s32 $0xffff, v41  }
0x5c: {  	v33 =	vadd.s32 v34, v33;
	v62 =	vadd.s32 $0xFFFFFFFF, v60;
	v45, _, _ =	vpop (xrf0);
	v48 =	vmov s7;
	s7 =	sadd.s32 s7, s12;
	(xrf0) =	vadd.scan.msk.s32 $0xffff, v49  }
0x5d: {  	v18 =	vadd.s32 v63, v18;
	v63 =	vbroadcast v62, $0x0;
	v50 =	vmov s7  }
0x5e: {  	(v2sf) =	vpush v45, $0xF;
	v46, _, _ =	vpop (xrf0);
	v34 =	vadd.s32 $0xFFFFFFFF, v48;
	v52 =	vadd.s32 $0xFFFFFFFF, v50  }
0x5f: {  	v41 =	vld [tilespmem:$0x210];
	v51 =	vbroadcast v34, $0x0;
	v53 =	vbroadcast v52, $0x0;
	s13 =	spop (v2sf);
	(v2sf) =	vpush v46, $0xF  }
0x60: {  	v54 =	vsub.s32 $0x1, v36;
	v19 =	vnsel vm7, $0xFFFFFFFF, v33;
	v23 =	vadd.s32 v37, v63;
	v34 =	vld [tilespmem:$0x220]  }
0x61: {  	v21 =	vnsel vm9, $0xFFFFFFFF, v23;
	v33 =	vadd.s32 v39, v51;
	v23 =	vadd.s32 v32, v53;
	v32, _, _ =	vpop (xrf0)  }
0x62: {  	(xrf0) =	vadd.scan.msk.s32 $0xffff, v54;
	s7 =	sadd.s32 s7, s13;
	v22 =	vnsel vm10, $0xFFFFFFFF, v33;
	v33 =	vld [tilespmem:$0x230];
	s14 =	spop (v2sf);
	(v2sf) =	vpush v32, $0xF;
	v47, _, _ =	vpop (xrf0)  }
0x63: {  	vm11 =	veq.s32 v26, $0x0;
	v55 =	vmov s7;
	s7 =	sadd.s32 s7, s14;
	s15 =	spop (v2sf);
	(v2sf) =	vpush v47, $0xF  }
0x64: {  	vm12 =	veq.s32 v24, $0x0;
	v57 =	vsub.s32 $0x1, v41;
	v58 =	vmov s7  }
0x65: {  	vm13 =	veq.s32 v25, $0x0;
	v37 =	vld [tilespmem:$0x240];
	(xrf0) =	vadd.scan.msk.s32 $0xffff, v57;
	v59 =	vsub.s32 $0x1, v34;
	v35 =	vadd.s32 $0xFFFFFFFF, v58  }
0x66: {  	vm14 =	veq.s32 v31, $0x0;
	v56 =	vadd.s32 $0xFFFFFFFF, v55;
	s7 =	sadd.s32 s7, s15;
	(xrf0) =	vadd.scan.msk.s32 $0xffff, v59;
	v61 =	vbroadcast v35, $0x0;
	v35 =	vld [tilespmem:$0x250]  }
0x67: {  	v26 =	vbroadcast v56, $0x0;
	v60 =	vmov s7;
	v49 =	vsub.s32 $0x1, v33  }
0x68: {  	vm4 =	veq.s32 v28, $0x0;
	vm15 =	veq.s32 v27, $0x0;
	v48, _, _ =	vpop (xrf0);
	s16 =	spop (v2sf);
	v62 =	vadd.s32 $0xFFFFFFFF, v60;
	(xrf0) =	vadd.scan.msk.s32 $0xffff, v49  }
0x69: {  	v26 =	vadd.s32 v40, v26;
	(v2sf) =	vpush v48, $0xF;
	s7 =	sadd.s32 s7, s16;
	v40 =	vbroadcast v62, $0x0  }
0x6a: {  	vm5 =	veq.s32 v29, $0x0;
	v52 =	vsub.s32 $0x1, v37;
	v51 =	vmov s7;
	s17 =	spop (v2sf)  }
0x6b: {  	v53 =	vadd.s32 $0xFFFFFFFF, v51;
	(xrf0) =	vadd.scan.msk.s32 $0xffff, v52;
	v50 =	vadd.s32 v43, v40;
	v43, _, _ =	vpop (xrf0);
	v40 =	vld [tilespmem:$0x260];
	s7 =	sadd.s32 s7, s17;
	v55 =	vsub.s32 $0x1, v35  }
0x6c: {  	v39 =	vld [tilespmem:$0x270];
	v63 =	vadd.s32 v42, v61;
	v31 =	vbroadcast v53, $0x0;
	v49, _, _ =	vpop (xrf0);
	v54 =	vmov s7;
	(xrf0) =	vadd.scan.msk.s32 $0xffff, v55  }
0x6d: {  	(v2sf) =	vpush v43, $0xF;
	v25 =	vnsel vm14, $0xFFFFFFFF, v50;
	s18 =	spop (v2sf);
	v56 =	vadd.s32 $0xFFFFFFFF, v54  }
0x6e: {  	(v2sf) =	vpush v49, $0xF;
	v31 =	vadd.s32 v44, v31;
	s7 =	sadd.s32 s7, s18;
	v50, _, _ =	vpop (xrf0);
	v57 =	vbroadcast v56, $0x0;
	s19 =	spop (v2sf)  }
0x6f: {  	v27 =	vnsel vm15, $0xFFFFFFFF, v31;
	v58 =	vmov s7;
	(v2sf) =	vpush v50, $0xF;
	s7 =	sadd.s32 s7, s19  }
0x70: {  	v31 =	vld [tilespmem:$0x280];
	v51 =	vsub.s32 $0x1, v40;
	v42 =	vadd.s32 v45, v57;
	v59 =	vmov s7  }
0x71: {  	v60 =	vsub.s32 $0x1, v39;
	v45, _, _ =	vpop (xrf0);
	(xrf0) =	vadd.scan.msk.s32 $0xffff, v51;
	v28 =	vnsel vm4, $0xFFFFFFFF, v42;
	v42 =	vadd.s32 $0xFFFFFFFF, v59;
	s20 =	spop (v2sf)  }
0x72: {  	v20 =	vnsel vm6, $0xFFFFFFFF, v20;
	v18 =	vnsel vm8, $0xFFFFFFFF, v18;
	v61 =	vbroadcast v42, $0x0;
	s7 =	sadd.s32 s7, s20;
	s21 =	spop (v2sf);
	v52, _, _ =	vpop (xrf0);
	(xrf0) =	vadd.scan.msk.s32 $0xffff, v60;
	v42 =	vld [tilespmem:$0x290]  }
0x73: {  	[tilespmem:$0x400] =	vst v0;
	v24 =	vnsel vm12, $0xFFFFFFFF, v26;
	v26 =	vnsel vm13, $0xFFFFFFFF, v63;
	v63 =	vmov s7;
	s7 =	sadd.s32 s7, s21  }
0x74: {  	[tilespmem:$0x410] =	vst v2;
	vm6 =	veq.s32 v30, $0x0;
	v44 =	vadd.s32 $0xFFFFFFFF, v58;
	v53 =	vmov s7  }
0x75: {  	[tilespmem:$0x420] =	vst v1;
	v44 =	vbroadcast v44, $0x0;
	v62 =	vsub.s32 $0x1, v31;
	v55 =	vadd.s32 $0xFFFFFFFF, v53  }
0x76: {  	vm7 =	veq.s32 v38, $0x0;
	(v2sf) =	vpush v45, $0xF;
	(xrf0) =	vadd.scan.msk.s32 $0xffff, v62;
	v56 =	vbroadcast v55, $0x0  }
0x77: {  	[tilespmem:$0x430] =	vst v7;
	v44 =	vadd.s32 v46, v44;
	v51 =	vadd.s32 v32, v61;
	v32 =	vld [tilespmem:$0x2A0];
	v46, _, _ =	vpop (xrf0);
	v58 =	vsub.s32 $0x1, v42  }
0x78: {  	vm8 =	veq.s32 v36, $0x0;
	vm9 =	veq.s32 v41, $0x0;
	s22 =	spop (v2sf);
	v59 =	vadd.s32 v48, v56;
	v48, _, _ =	vpop (xrf0);
	(xrf0) =	vadd.scan.msk.s32 $0xffff, v58  }
0x79: {  	[tilespmem:$0x450] =	vst v3;
	v30 =	vld [tilespmem:$0x2B0];
	v29 =	vnsel vm5, $0xFFFFFFFF, v44;
	(v2sf) =	vpush v52, $0xF;
	v44 =	vadd.s32 $0xFFFFFFFF, v63;
	s7 =	sadd.s32 s7, s22  }
0x7a: {  	[tilespmem:$0x440] =	vst v5;
	v23 =	vnsel vm11, $0xFFFFFFFF, v23;
	v57 =	vmov s7;
	(v2sf) =	vpush v46, $0xF  }
0x7b: {  	[tilespmem:$0x460] =	vst v4;
	vm10 =	veq.s32 v34, $0x0;
	v54 =	vbroadcast v44, $0x0;
	v60 =	vadd.s32 $0xFFFFFFFF, v57  }
0x7c: {  	[tilespmem:$0x470] =	vst v8;
	v38 =	vld [tilespmem:$0x2C0];
	v61 =	vbroadcast v60, $0x0;
	s23 =	spop (v2sf);
	(v2sf) =	vpush v48, $0xF;
	v44, _, _ =	vpop (xrf0);
	v62 =	vsub.s32 $0x1, v32  }
0x7d: {  	vm11 =	veq.s32 v33, $0x0;
	vm12 =	veq.s32 v37, $0x0;
	s24 =	spop (v2sf);
	(v2sf) =	vpush v44, $0xF;
	(xrf0) =	vadd.scan.msk.s32 $0xffff, v62  }
0x7e: {  	[tilespmem:$0x480] =	vst v6;
	v0 =	vnsel vm6, $0xFFFFFFFF, v51;
	v51 =	vsub.s32 $0x1, v30;
	v5 =	vadd.s32 v43, v61;
	v43, _, _ =	vpop (xrf0)  }
0x7f: {  	v36 =	vld [tilespmem:$0x2E0];
	vm13 =	veq.s32 v35, $0x0;
	vm15 =	veq.s32 v39, $0x0;
	(xrf0) =	vadd.scan.msk.s32 $0xffff, v51;
	s25 =	spop (v2sf);
	(v2sf) =	vpush v43, $0xF  }
0x80: {  	[tilespmem:$0x490] =	vst v9;
	v41 =	vld [tilespmem:$0x2D0];
	vm14 =	veq.s32 v40, $0x0;
	vm4 =	veq.s32 v31, $0x0;
	v2 =	vadd.s32 v47, v54;
	s7 =	sadd.s32 s7, s23  }
0x81: {  	[tilespmem:$0x4A0] =	vst v12;
	v34 =	vld [tilespmem:$0x2F0];
	v57 =	vsub.s32 $0x1, v38;
	vm5 =	veq.s32 v42, $0x0;
	v63 =	vmov s7  }
0x82: {  	v1 =	vnsel vm7, $0xFFFFFFFF, v2;
	vm7 =	veq.s32 v30, $0x0;
	v53 =	vadd.s32 $0xFFFFFFFF, v63;
	(xrf0) =	vadd.scan.msk.s32 $0xffff, v57  }
0x83: {  	[tilespmem:$0x4B0] =	vst v10;
	v3 =	vnsel vm8, $0xFFFFFFFF, v59;
	vm6 =	veq.s32 v32, $0x0;
	v2 =	vbroadcast v53, $0x0;
	v47, _, _ =	vpop (xrf0)  }
0x84: {  	[tilespmem:$0x4C0] =	vst v13;
	vm8 =	veq.s32 v38, $0x0;
	s7 =	sadd.s32 s7, s24;
	v51 =	vsub.s32 $0x1, v36;
	(v2sf) =	vpush v47, $0xF  }
0x85: {  	[tilespmem:$0x4D0] =	vst v11;
	v54 =	vmov s7;
	v63 =	vsub.s32 $0x1, v41;
	v56 =	vadd.s32 v49, v2;
	v49, _, _ =	vpop (xrf0)  }
0x86: {  	v8 =	vld [tilespmem:$0x300];
	[tilespmem:$0x4E0] =	vst v16;
	v55 =	vadd.s32 $0xFFFFFFFF, v54;
	v54 =	vsub.s32 $0x1, v34;
	s7 =	sadd.s32 s7, s25;
	s26 =	spop (v2sf);
	(v2sf) =	vpush v49, $0xF  }
0x87: {  	v9 =	vld [tilespmem:$0x310];
	v4 =	vbroadcast v55, $0x0;
	v2 =	vnsel vm9, $0xFFFFFFFF, v5;
	v58 =	vmov s7;
	s7 =	sadd.s32 s7, s26;
	(xrf0) =	vadd.scan.msk.s32 $0xffff, v63  }
0x88: {  	v13 =	vld [tilespmem:$0x320];
	[tilespmem:$0x4F0] =	vst v14;
	vm9 =	veq.s32 v41, $0x0;
	v60 =	vadd.s32 $0xFFFFFFFF, v58;
	v61 =	vmov s7;
	s28 =	spop (v2sf);
	v37, _, _ =	vpop (xrf0)  }
0x89: {  	[tilespmem:$0x500] =	vst v17;
	v5 =	vbroadcast v60, $0x0;
	v62 =	vadd.s32 $0xFFFFFFFF, v61;
	s29 =	spop (v2sf);
	(v2sf) =	vpush v37, $0xF  }
0x8a: {  	v59 =	vadd.s32 v50, v4;
	v4 =	vnsel vm10, $0xFFFFFFFF, v56;
	s7 =	sadd.s32 s7, s28;
	v12 =	vbroadcast v62, $0x0;
	(xrf0) =	vadd.scan.msk.s32 $0xffff, v51  }
0x8b: {  	[tilespmem:$0x510] =	vst v15;
	v56 =	vsub.s32 $0x1, v8;
	v33 =	vadd.s32 v45, v5;
	v45 =	vmov s7;
	s7 =	sadd.s32 s7, s29;
	s30 =	spop (v2sf)  }
0x8c: {  	[tilespmem:$0x520] =	vst v20;
	vm10 =	veq.s32 v36, $0x0;
	v7 =	vadd.s32 v52, v12;
	v52 =	vmov s7;
	s7 =	sadd.s32 s7, s30;
	s31 =	spop (v2sf)  }
0x8d: {  	[tilespmem:$0x530] =	vst v19;
	v60 =	vsub.s32 $0x1, v9;
	v63 =	vsub.s32 $0x1, v13;
	v35, _, _ =	vpop (xrf0);
	v55 =	vmov s7;
	s7 =	sadd.s32 s7, s31  }
0x8e: {  	v5 =	vnsel vm11, $0xFFFFFFFF, v59;
	(xrf0) =	vadd.scan.msk.s32 $0xffff, v54;
	(v2sf) =	vpush v35, $0xF;
	v57 =	vmov s7;
	s9 =	spop (v2sf)  }
0x8f: {  	v6 =	vnsel vm12, $0xFFFFFFFF, v33;
	v33 =	vld [tilespmem:$0x330];
	v50 =	vadd.s32 $0xFFFFFFFF, v45;
	(xrf0) =	vadd.scan.msk.s32 $0xffff, v56;
	v59 =	vadd.s32 $0xFFFFFFFF, v57;
	s7 =	sadd.s32 s7, s9  }
0x90: {  	v53 =	vadd.s32 $0xFFFFFFFF, v52;
	v39, _, _ =	vpop (xrf0);
	(xrf0) =	vadd.scan.msk.s32 $0xffff, v60;
	v14 =	vbroadcast v59, $0x0;
	v62 =	vmov s7  }
0x91: {  	[tilespmem:$0x540] =	vst v18;
	v10 =	vbroadcast v50, $0x0;
	v11 =	vbroadcast v53, $0x0;
	v31 =	vadd.s32 $0xFFFFFFFF, v62  }
0x92: {  	[tilespmem:$0x550] =	vst v21;
	v12 =	vadd.s32 $0xFFFFFFFF, v55;
	v14 =	vadd.s32 v43, v14;
	v43 =	vbroadcast v31, $0x0  }
0x93: {  	[tilespmem:$0x560] =	vst v22;
	v10 =	vadd.s32 v46, v10;
	(v2sf) =	vpush v39, $0xF;
	v58 =	vbroadcast v12, $0x0;
	s10 =	spop (v2sf)  }
0x94: {  	v16 =	vld [tilespmem:$0x340];
	[tilespmem:$0x570] =	vst v23;
	v46 =	vsub.s32 $0x1, v33;
	v40, _, _ =	vpop (xrf0);
	v11 =	vadd.s32 v48, v11;
	v12 =	vnsel vm14, $0xFFFFFFFF, v10;
	s7 =	sadd.s32 s7, s10  }
0x95: {  	v42, _, _ =	vpop (xrf0);
	(xrf0) =	vadd.scan.msk.s32 $0xffff, v63;
	v10 =	vnsel vm15, $0xFFFFFFFF, v11;
	v11 =	vld [tilespmem:$0x350];
	v61 =	vadd.s32 v44, v58;
	s11 =	spop (v2sf);
	v44 =	vmov s7  }
0x96: {  	v15 =	vnsel vm5, $0xFFFFFFFF, v14;
	s7 =	sadd.s32 s7, s11;
	v17 =	vadd.s32 $0xFFFFFFFF, v44;
	v14 =	vadd.s32 v47, v43;
	v43, _, _ =	vpop (xrf0);
	(xrf0) =	vadd.scan.msk.s32 $0xffff, v46  }
0x97: {  	[tilespmem:$0x580] =	vst v24;
	(v2sf) =	vpush v40, $0xF;
	v45 =	vmov s7;
	v48 =	vbroadcast v17, $0x0;
	v17 =	vld [tilespmem:$0x360]  }
0x98: {  	[tilespmem:$0x590] =	vst v26;
	vm11 =	veq.s32 v34, $0x0;
	vm12 =	veq.s32 v8, $0x0;
	v18 =	vadd.s32 $0xFFFFFFFF, v45;
	s12 =	spop (v2sf)  }
0x99: {  	v22 =	vld [tilespmem:$0x370];
	[tilespmem:$0x5A0] =	vst v25;
	v50 =	vsub.s32 $0x1, v16;
	v7 =	vnsel vm13, $0xFFFFFFFF, v7;
	v18 =	vbroadcast v18, $0x0;
	s7 =	sadd.s32 s7, s12  }
0x9a: {  	(v2sf) =	vpush v42, $0xF;
	v53 =	vsub.s32 $0x1, v11;
	v52 =	vmov s7;
	(xrf0) =	vadd.scan.msk.s32 $0xffff, v50  }
0x9b: {  	v19 =	vld [tilespmem:$0x3A0];
	(v2sf) =	vpush v43, $0xF;
	v51 =	vadd.s32 v37, v18;
	v32, _, _ =	vpop (xrf0);
	v18 =	vadd.s32 $0xFFFFFFFF, v52;
	(xrf0) =	vadd.scan.msk.s32 $0xffff, v53  }
0x9c: {  	[tilespmem:$0x5B0] =	vst v27;
	(v2sf) =	vpush v32, $0xF;
	v54 =	vbroadcast v18, $0x0;
	v55 =	vsub.s32 $0x1, v17;
	v18 =	vld [tilespmem:$0x380];
	v26, _, _ =	vpop (xrf0)  }
0x9d: {  	vm13 =	veq.s32 v9, $0x0;
	vm14 =	veq.s32 v13, $0x0;
	s13 =	spop (v2sf);
	(xrf0) =	vadd.scan.msk.s32 $0xffff, v55;
	(v2sf) =	vpush v26, $0xF  }
0x9e: {  	[tilespmem:$0x5C0] =	vst v28;
	v59 =	vsub.s32 $0x1, v22;
	vm15 =	veq.s32 v33, $0x0;
	v31 =	vnsel vm6, $0xFFFFFFFF, v14;
	v14 =	vld [tilespmem:$0x390]  }
0x9f: {  	v21 =	vld [tilespmem:$0x3B0];
	[tilespmem:$0x5E0] =	vst v0;
	v20 =	vnsel vm4, $0xFFFFFFFF, v61;
	vm4 =	veq.s32 v16, $0x0;
	vm5 =	veq.s32 v11, $0x0;
	s7 =	sadd.s32 s7, s13  }
0xa0: {  	[tilespmem:$0x5F0] =	vst v1;
	v45 =	vsub.s32 $0x1, v19;
	v49 =	vadd.s32 v49, v48;
	v57 =	vmov s7;
	v28, _, _ =	vpop (xrf0)  }
0xa1: {  	v0 =	vld [tilespmem:$0x3D0];
	v58 =	vadd.s32 $0xFFFFFFFF, v57;
	(xrf0) =	vadd.scan.msk.s32 $0xffff, v59;
	(v2sf) =	vpush v28, $0xF;
	v27, _, _ =	vpop (xrf0);
	v61 =	vsub.s32 $0x1, v18  }
0xa2: {  	v1 =	vld [tilespmem:$0x3E0];
	v30 =	vnsel vm7, $0xFFFFFFFF, v49;
	s14 =	spop (v2sf);
	v23 =	vbroadcast v58, $0x0;
	(v2sf) =	vpush v27, $0xF;
	(xrf0) =	vadd.scan.msk.s32 $0xffff, v61  }
0xa3: {  	[tilespmem:$0x5D0] =	vst v29;
	vm7 =	veq.s32 v22, $0x0;
	v24 =	vnsel vm8, $0xFFFFFFFF, v51;
	v63 =	vsub.s32 $0x1, v14;
	v36, _, _ =	vpop (xrf0)  }
0xa4: {  	v51 =	vsub.s32 $0x1, v21;
	s7 =	sadd.s32 s7, s14;
	v41 =	vadd.s32 v39, v23;
	v23 =	vld [tilespmem:$0x3C0];
	(xrf0) =	vadd.scan.msk.s32 $0xffff, v63;
	(v2sf) =	vpush v36, $0xF  }
0xa5: {  	[tilespmem:$0x600] =	vst v3;
	vm6 =	veq.s32 v17, $0x0;
	v56 =	vadd.s32 v35, v54;
	v60 =	vmov s7  }
0xa6: {  	v25 =	vnsel vm9, $0xFFFFFFFF, v56;
	v56 =	vsub.s32 $0x1, v0;
	v62 =	vadd.s32 $0xFFFFFFFF, v60;
	s15 =	spop (v2sf);
	(xrf0) =	vadd.scan.msk.s32 $0xffff, v45  }
0xa7: {  	[tilespmem:$0x610] =	vst v2;
	vm9 =	veq.s32 v14, $0x0;
	v59 =	vsub.s32 $0x1, v1;
	v35 =	vbroadcast v62, $0x0;
	s7 =	sadd.s32 s7, s15;
	v49, _, _ =	vpop (xrf0)  }
0xa8: {  	vm8 =	veq.s32 v18, $0x0;
	v44 =	vmov s7;
	(v2sf) =	vpush v49, $0xF;
	v52, _, _ =	vpop (xrf0);
	(xrf0) =	vadd.scan.msk.s32 $0xffff, v51  }
0xa9: {  	[tilespmem:$0x620] =	vst v4;
	s16 =	spop (v2sf);
	v37 =	vnsel vm10, $0xFFFFFFFF, v41;
	vm10 =	veq.s32 v19, $0x0;
	v55 =	vsub.s32 $0x1, v23  }
0xaa: {  	v35 =	vadd.s32 v40, v35;
	v46 =	vadd.s32 $0xFFFFFFFF, v44;
	s7 =	sadd.s32 s7, s16;
	s17 =	spop (v2sf);
	(v2sf) =	vpush v52, $0xF;
	v54, _, _ =	vpop (xrf0);
	(xrf0) =	vadd.scan.msk.s32 $0xffff, v55  }
0xab: {  	v47 =	vbroadcast v46, $0x0;
	v48 =	vmov s7;
	s7 =	sadd.s32 s7, s17;
	s18 =	spop (v2sf);
	(v2sf) =	vpush v54, $0xF;
	(xrf0) =	vadd.scan.msk.s32 $0xffff, v56  }
0xac: {  	v44 =	vld [tilespmem:$0x3F0];
	v35 =	vnsel vm11, $0xFFFFFFFF, v35;
	vm11 =	veq.s32 v21, $0x0;
	v53 =	vmov s7;
	s7 =	sadd.s32 s7, s18;
	v57, _, _ =	vpop (xrf0);
	(xrf0) =	vadd.scan.msk.s32 $0xffff, v59;
	s19 =	spop (v2sf)  }
0xad: {  	[tilespmem:$0x630] =	vst v5;
	v50 =	vadd.s32 $0xFFFFFFFF, v48;
	v58 =	vmov s7;
	(v2sf) =	vpush v57, $0xF;
	s7 =	sadd.s32 s7, s19  }
0xae: {  	[tilespmem:$0x640] =	vst v6;
	v29 =	vadd.s32 v42, v47;
	v3 =	vbroadcast v50, $0x0;
	v60, _, _ =	vpop (xrf0);
	v61 =	vmov s7  }
0xaf: {  	[tilespmem:$0x650] =	vst v7;
	v29 =	vnsel vm12, $0xFFFFFFFF, v29;
	(v2sf) =	vpush v60, $0xF;
	v5 =	vadd.s32 $0xFFFFFFFF, v61  }
0xb0: {  	[tilespmem:$0x660] =	vst v12;
	vm12 =	veq.s32 v23, $0x0;
	v3 =	vadd.s32 v43, v3;
	v62, _, _ =	vpop (xrf0);
	s20 =	spop (v2sf);
	v5 =	vbroadcast v5, $0x0  }
0xb1: {  	[tilespmem:$0x670] =	vst v10;
	v51 =	vsub.s32 $0x1, v44;
	v3 =	vnsel vm13, $0xFFFFFFFF, v3;
	v63, _, _ =	vpop (xrf0);
	s21 =	spop (v2sf);
	(v2sf) =	vpush v62, $0xF  }
0xb2: {  	[tilespmem:$0x680] =	vst v20;
	v4 =	vadd.s32 $0xFFFFFFFF, v58;
	(v2sf) =	vpush v63, $0xF;
	v5 =	vadd.s32 v28, v5;
	v28, _, _ =	vpop (xrf0)  }
0xb3: {  	[tilespmem:$0x690] =	vst v15;
	v2 =	vadd.s32 $0xFFFFFFFF, v53;
	v4 =	vbroadcast v4, $0x0;
	s7 =	sadd.s32 s7, s20;
	s22 =	spop (v2sf);
	(v2sf) =	vpush v28, $0xF  }
0xb4: {  	[tilespmem:$0x6A0] =	vst v31;
	vm13 =	veq.s32 v0, $0x0;
	v2 =	vbroadcast v2, $0x0;
	v13 =	vmov s7;
	s7 =	sadd.s32 s7, s21  }
0xb5: {  	[tilespmem:$0x6B0] =	vst v30;
	v4 =	vadd.s32 v26, v4;
	v10 =	vadd.s32 $0xFFFFFFFF, v13;
	v26 =	vmov s7  }
0xb6: {  	[tilespmem:$0x6C0] =	vst v24;
	v2 =	vadd.s32 v32, v2;
	v10 =	vbroadcast v10, $0x0;
	v12 =	vadd.s32 $0xFFFFFFFF, v26  }
0xb7: {  	[tilespmem:$0x6D0] =	vst v25;
	v2 =	vnsel vm14, $0xFFFFFFFF, v2;
	v4 =	vnsel vm15, $0xFFFFFFFF, v4;
	v12 =	vbroadcast v12, $0x0;
	s7 =	sadd.s32 s7, s22;
	s23 =	spop (v2sf)  }
0xb8: {  	[tilespmem:$0x6E0] =	vst v37;
	v10 =	vadd.s32 v27, v10;
	v5 =	vnsel vm4, $0xFFFFFFFF, v5;
	v31 =	vmov s7;
	s7 =	sadd.s32 s7, s23  }
0xb9: {  	[tilespmem:$0x6F0] =	vst v35;
	v32 =	vadd.s32 v36, v12;
	v15 =	vadd.s32 $0xFFFFFFFF, v31;
	s24 =	spop (v2sf);
	v36 =	vmov s7  }
0xba: {  	[tilespmem:$0x700] =	vst v29;
	v10 =	vnsel vm5, $0xFFFFFFFF, v10;
	v33 =	vbroadcast v15, $0x0;
	s7 =	sadd.s32 s7, s24;
	s25 =	spop (v2sf);
	v15 =	vadd.s32 $0xFFFFFFFF, v36  }
0xbb: {  	[tilespmem:$0x710] =	vst v3;
	v11 =	vnsel vm6, $0xFFFFFFFF, v32;
	v15 =	vbroadcast v15, $0x0;
	v37 =	vmov s7;
	s7 =	sadd.s32 s7, s25  }
0xbc: {  	(xrf0) =	vadd.scan.msk.s32 $0xffff, v51;
	v12 =	vadd.s32 v49, v33;
	s26 =	spop (v2sf);
	v16 =	vadd.s32 $0xFFFFFFFF, v37;
	v40 =	vmov s7  }
0xbd: {  	[tilespmem:$0x720] =	vst v2;
	v12 =	vnsel vm7, $0xFFFFFFFF, v12;
	v42 =	vbroadcast v16, $0x0;
	v43 =	vadd.s32 $0xFFFFFFFF, v40;
	s7 =	sadd.s32 s7, s26  }
0xbe: {  	[tilespmem:$0x730] =	vst v4;
	v41 =	vadd.s32 v52, v15;
	v45 =	vbroadcast v43, $0x0;
	v46 =	vmov s7;
	s28 =	spop (v2sf)  }
0xbf: {  	[tilespmem:$0x740] =	vst v5;
	v3 =	vnsel vm8, $0xFFFFFFFF, v41;
	v47 =	vadd.s32 v54, v42;
	v48 =	vadd.s32 $0xFFFFFFFF, v46;
	s7 =	sadd.s32 s7, s28  }
0xc0: {  	[tilespmem:$0x750] =	vst v10;
	v2 =	vadd.s32 v57, v45;
	v49 =	vbroadcast v48, $0x0;
	s29 =	spop (v2sf);
	v50 =	vmov s7  }
0xc1: {  	[tilespmem:$0x760] =	vst v11;
	v4 =	vnsel vm9, $0xFFFFFFFF, v47;
	v2 =	vnsel vm10, $0xFFFFFFFF, v2;
	s7 =	sadd.s32 s7, s29;
	s30 =	spop (v2sf);
	v8 =	vadd.s32 $0xFFFFFFFF, v50  }
0xc2: {  	[tilespmem:$0x770] =	vst v12;
	v5 =	vadd.s32 v60, v49;
	v8 =	vbroadcast v8, $0x0;
	v52 =	vmov s7;
	s7 =	sadd.s32 s7, s30;
	s31 =	spop (v2sf)  }
0xc3: {  	[tilespmem:$0x780] =	vst v3;
	v5 =	vnsel vm11, $0xFFFFFFFF, v5;
	v9 =	vadd.s32 $0xFFFFFFFF, v52;
	v53 =	vmov s7;
	s7 =	sadd.s32 s7, s31  }
0xc4: {  	[tilespmem:$0x790] =	vst v4;
	v55 =	vbroadcast v9, $0x0;
	v56 =	vadd.s32 $0xFFFFFFFF, v53;
	v57 =	vmov s7  }
0xc5: {  	[tilespmem:$0x7A0] =	vst v2;
	v54 =	vadd.s32 v62, v8;
	v4 =	vbroadcast v56, $0x0;
	v59 =	vadd.s32 $0xFFFFFFFF, v57  }
0xc6: {  	[tilespmem:$0x7B0] =	vst v5;
	v3 =	vnsel vm12, $0xFFFFFFFF, v54;
	v58 =	vadd.s32 v63, v55;
	v60 =	vbroadcast v59, $0x0  }
0xc7: {  	vm14 =	veq.s32 v1, $0x0;
	v62, _, _ =	vpop (xrf0);
	[tilespmem:$0x7C0] =	vst v3;
	v61 =	vadd.s32 v28, v4;
	v2 =	vnsel vm13, $0xFFFFFFFF, v58  }
0xc8: {  	vm15 =	veq.s32 v44, $0x0;
	[tilespmem:$0x7D0] =	vst v2;
	v63 =	vnsel vm14, $0xFFFFFFFF, v61;
	v0 =	vadd.s32 v62, v60  }
0xc9: {  	s2 =	sadd.s32 s6, s2;
	[tilespmem:$0x7E0] =	vst v63;
	v0 =	vnsel vm15, $0xFFFFFFFF, v0  }
0xca: {  	s2 =	sadd.s32 $0x1000, s2;
	[tilespmem:$0x7F0] =	vst v0  }
0xcb: {  	[hbm4b:s2+s3] =	stream.strided.scatter [tilespmem:s5], [sflag:$0x1], $0x400, s5, s3, $0x38;
	[tilespmem:$0x800] =	vst v63  }
0xcc: {  	_ =	swait.ge [sflag:s4], $0x400  }
0xcd: {  	[sflag:s4] =	ssyncset.done $0x0  }
0xce: {  	[sflag:s4] =	ssyncadd.s32 $0xFFFFFC00  }
0xcf: {  	_ =	sfence.sel $0x180000  }
0xd0: {  	[bflag:$0x0] =	sbarrier.arrive $0xFFFF  }
0xd1: {  	p0 =	sne.s32 s1, $0x0;
	_ =	strace $0x90000047  }
0xd2: {  	s0 =	sadd.s32 @!p0 $0x100000, s0;
	[bflag:$0x2] =	sbarrier.arrive $0xFFFF  }
0xd3: {  	[sflag:s0] =	ssyncadd.tile.s32 @!p0 $0x1;
	_ =	shalt  }
.Lfunc_end2:
_tile_overlayer_lowered:
.L_overlay_start_2:
0xd4: {  	(tag) =	ssettag $0x2  }
0xd5: {  	s0 =	rddreg [dreg:$0x0];
	s2 =	stileid.u32  }
0xd6: {  	s1 =	rddreg [dreg:$0x1];
	p0 =	sne.s32 s2, $0x0  }
0xd7: {  	s3 =	rddreg [dreg:$0x2];
	[bflag:$0x3] =	sbarrier.arrive $0xFFFF;
	s2 =	simm.s32 @!p0 $0x1C01  }
0xd8: {  	[timem:s3], [sflag:s2] =	dma.local @!p0 [hbm:s0], s1  }
0xd9: {  	s0 =	simm.s32 @!p0 $0x1  }
0xda: {  	_ =	swait.ge @!p0 [sflag:s0], s1  }
0xdb: {  	s1 =	ssub.s32 @!p0 $0x0, s1;
	[sflag:s0] =	ssyncset.done @!p0 $0x0  }
0xdc: {  	[sflag:s0] =	ssyncadd.s32 @!p0 s1  }
0xdd: {  	[bflag:$0x3] =	sbarrier.arrive $0xFFFF  }
0xde: {  	_ =	shalt  }

</sc_bundles>
